<compile_context>
chip_gen: v7x
topology: tpu7x:2x2x1
jax: 0.10.2.dev20260603
libtpu: 0.0.44.dev20260713+nightly
codegen_flags: <defaults>
</compile_context>

<pallas_src>
import jax
import jax.numpy as jnp
from jax import lax
from jax.experimental import pallas as pl
from jax.experimental.pallas import tpu as pltpu
from jax.experimental.pallas import tpu_sc as plsc

N = 10000
E = 320000
F_IN = 128
HEADS = 8
HID = 8
D1 = HEADS * HID
NCLS = 16

NPAD = 10240
E_TOT = E + N
E_PAD = 331776
BLOCKS = 81
ROWS_PER_TILE = NPAD // 16

_f32 = jnp.float32
_i32 = jnp.int32


def _lane():
    return lax.iota(_i32, 16)


def _take(v, idx):
    dnums = lax.GatherDimensionNumbers(
        offset_dims=(), collapsed_slice_dims=(0,), start_index_map=(0,))
    return lax.gather(v, idx[:, None], dnums, (1,),
                      mode=lax.GatherScatterMode.PROMISE_IN_BOUNDS)


def _sc_layer1(src_hbm, dst_hbm, h1_hbm, a1_hbm, acc_hbm,
               idx_s, idx_d, a1s_b, a1d_b, h_b, msg_b, acc_s,
               sem0, sem1, sem2):
    cid = lax.axis_index("c")
    sid = lax.axis_index("s")
    wid = cid * 16 + sid
    lane = _lane()
    swap8 = (lane + 8) % 16

    pltpu.sync_copy(src_hbm.at[wid], idx_s)
    pltpu.sync_copy(dst_hbm.at[wid], idx_d)

    @plsc.parallel_loop(0, 128, unroll=4)
    def _z(e):
        for k in range(5):
            msg_b[e, pl.ds(16 * k, 16)] = jnp.zeros((16,), _f32)
    base = sid * ROWS_PER_TILE
    for t in range(5):
        pltpu.sync_copy(msg_b, acc_s.at[pl.ds(base + 128 * t, 128)])
    plsc.subcore_barrier()

    def _block(j, c):
        ir = idx_s.at[j]
        id_ = idx_d.at[j]
        c1 = pltpu.async_copy(h1_hbm.at[ir], h_b, sem0)
        c2 = pltpu.async_copy(a1_hbm.at[ir], a1s_b, sem1)
        c3 = pltpu.async_copy(a1_hbm.at[id_], a1d_b, sem2)
        c1.wait()
        c2.wait()
        c3.wait()

        @plsc.parallel_loop(0, 128, unroll=8)
        def _edge(e):
            vs = a1s_b[e]
            vd = a1d_b[e]
            al = vs + _take(vd, swap8)
            al = jnp.where(al > 0, al, 0.2 * al)
            ex = jnp.exp(al)
            msg_b[e, pl.ds(64, 16)] = jnp.where(lane < 8, ex, 0.0)
            for k in range(4):
                coef = _take(ex, 2 * k + jnp.where(lane < 8, 0, 1))
                msg_b[e, pl.ds(16 * k, 16)] = h_b[e, pl.ds(16 * k, 16)] * coef

        pltpu.sync_copy(msg_b, acc_s.at[id_], add=True)
        return c
    lax.fori_loop(0, BLOCKS, _block, 0)
    plsc.subcore_barrier()

    for t in range(5):
        r = base + 128 * t
        pltpu.sync_copy(acc_s.at[pl.ds(r, 128)], acc_hbm.at[cid, pl.ds(r, 128)])


def _sc_layer2(src_hbm, dst_hbm, h2_hbm, a2_hbm, acc_hbm,
               idx_s, idx_d, a2s_b, a2d_b, h_b, msg_b, acc_s,
               sem0, sem1, sem2):
    cid = lax.axis_index("c")
    sid = lax.axis_index("s")
    wid = cid * 16 + sid
    lane = _lane()
    rot1 = (lane + 1) % 16
    zero16 = lane * 0

    pltpu.sync_copy(src_hbm.at[wid], idx_s)
    pltpu.sync_copy(dst_hbm.at[wid], idx_d)

    @plsc.parallel_loop(0, 128, unroll=4)
    def _z(e):
        for k in range(2):
            msg_b[e, pl.ds(16 * k, 16)] = jnp.zeros((16,), _f32)
    base = sid * ROWS_PER_TILE
    for t in range(5):
        pltpu.sync_copy(msg_b, acc_s.at[pl.ds(base + 128 * t, 128)])
    plsc.subcore_barrier()

    def _block(j, c):
        ir = idx_s.at[j]
        id_ = idx_d.at[j]
        c1 = pltpu.async_copy(h2_hbm.at[ir], h_b, sem0)
        c2 = pltpu.async_copy(a2_hbm.at[ir], a2s_b, sem1)
        c3 = pltpu.async_copy(a2_hbm.at[id_], a2d_b, sem2)
        c1.wait()
        c2.wait()
        c3.wait()

        @plsc.parallel_loop(0, 128, unroll=8)
        def _edge(e):
            vs = a2s_b[e]
            vd = a2d_b[e]
            t0 = vs + _take(vd, rot1)
            t0 = jnp.where(t0 > 0, t0, 0.2 * t0)
            ex = jnp.exp(t0)
            coef = _take(ex, zero16)
            msg_b[e, pl.ds(0, 16)] = h_b[e] * coef
            msg_b[e, pl.ds(16, 16)] = jnp.where(lane == 0, coef, 0.0)

        pltpu.sync_copy(msg_b, acc_s.at[id_], add=True)
        return c
    lax.fori_loop(0, BLOCKS, _block, 0)
    plsc.subcore_barrier()

    for t in range(5):
        r = base + 128 * t
        pltpu.sync_copy(acc_s.at[pl.ds(r, 128)], acc_hbm.at[cid, pl.ds(r, 128)])


def _tc_a(x_ref, w1_ref, aall_ref, h_ref, a1_ref):
    h = jnp.dot(x_ref[...], w1_ref[...], preferred_element_type=_f32)
    h_ref[...] = h
    a1_ref[...] = jnp.dot(h, aall_ref[...], preferred_element_type=_f32)


def _tc_c(acc_ref, b1_ref, w2_ref, acomb_ref, h2_ref, a2_ref):
    acc = acc_ref[0] + acc_ref[1]
    den = acc[:, D1:D1 + HEADS] + 1e-16
    blk = acc.shape[0]
    msg = acc[:, :D1].reshape(blk, HEADS, HID)
    out1 = msg / den[:, :, None] + b1_ref[...].reshape(1, HEADS, HID)
    out1 = out1.reshape(blk, D1)
    out1 = jnp.where(out1 > 0, out1, jnp.exp(jnp.minimum(out1, 0.0)) - 1.0)
    h2 = jnp.dot(out1, w2_ref[...], preferred_element_type=_f32)
    h2_ref[...] = h2
    a2_ref[...] = jnp.dot(h2, acomb_ref[...], preferred_element_type=_f32)


def _tc_e(acc_ref, b2_ref, out_ref):
    num = acc_ref[0, :, :NCLS] + acc_ref[1, :, :NCLS]
    den = acc_ref[0, :, NCLS:NCLS + 1] + acc_ref[1, :, NCLS:NCLS + 1] + 1e-16
    out_ref[...] = num / den + b2_ref[...]


def kernel(x, edge_index, edge_attr, W1, att_src1, att_dst1, b1,
           W2, att_src2, att_dst2, b2):
    x = x.astype(_f32)
    loop = jnp.arange(N, dtype=_i32)
    src = jnp.concatenate([edge_index[0].astype(_i32), loop])
    dst = jnp.concatenate([edge_index[1].astype(_i32), loop])
    padlen = E_PAD - E_TOT
    pad_idx = jnp.full((padlen,), N, _i32)
    src2d = jnp.concatenate([src, pad_idx]).reshape(32, BLOCKS, 128)
    dst2d = jnp.concatenate([dst, pad_idx]).reshape(32, BLOCKS, 128)

    xp = jnp.zeros((NPAD, F_IN), _f32).at[:N].set(x)

    r = jnp.arange(D1)
    aall1 = (jnp.zeros((D1, 16), _f32)
             .at[r, r // HID].set(att_src1.reshape(D1).astype(_f32))
             .at[r, r // HID + HEADS].set(att_dst1.reshape(D1).astype(_f32)))
    acomb2 = (jnp.zeros((NCLS, 16), _f32)
              .at[:, 0].set(att_src2.reshape(NCLS).astype(_f32))
              .at[:, 1].set(att_dst2.reshape(NCLS).astype(_f32)))

    BLK = 1024
    grid = NPAD // BLK

    h1, a1 = pl.pallas_call(
        _tc_a,
        grid=(grid,),
        in_specs=[
            pl.BlockSpec((BLK, F_IN), lambda i: (i, 0)),
            pl.BlockSpec((F_IN, D1), lambda i: (0, 0)),
            pl.BlockSpec((D1, 16), lambda i: (0, 0)),
        ],
        out_specs=[
            pl.BlockSpec((BLK, D1), lambda i: (i, 0)),
            pl.BlockSpec((BLK, 16), lambda i: (i, 0)),
        ],
        out_shape=[
            jax.ShapeDtypeStruct((NPAD, D1), _f32),
            jax.ShapeDtypeStruct((NPAD, 16), _f32),
        ],
    )(xp, W1.astype(_f32), aall1)

    mesh = plsc.VectorSubcoreMesh(core_axis_name="c", subcore_axis_name="s")

    acc1 = pl.kernel(
        _sc_layer1,
        out_type=jax.ShapeDtypeStruct((2, NPAD, 80), _f32),
        mesh=mesh,
        compiler_params=pltpu.CompilerParams(use_tc_tiling_on_sc=False),
        scratch_types=[
            pltpu.VMEM((BLOCKS, 128), _i32),
            pltpu.VMEM((BLOCKS, 128), _i32),
            pltpu.VMEM((128, 16), _f32),
            pltpu.VMEM((128, 16), _f32),
            pltpu.VMEM((128, D1), _f32),
            pltpu.VMEM((128, 80), _f32),
            pltpu.VMEM_SHARED((NPAD, 80), _f32),
            pltpu.SemaphoreType.DMA,
            pltpu.SemaphoreType.DMA,
            pltpu.SemaphoreType.DMA,
        ],
    )(src2d, dst2d, h1, a1)

    h2, a2 = pl.pallas_call(
        _tc_c,
        grid=(grid,),
        in_specs=[
            pl.BlockSpec((2, BLK, 80), lambda i: (0, i, 0)),
            pl.BlockSpec((1, D1), lambda i: (0, 0)),
            pl.BlockSpec((D1, NCLS), lambda i: (0, 0)),
            pl.BlockSpec((NCLS, 16), lambda i: (0, 0)),
        ],
        out_specs=[
            pl.BlockSpec((BLK, NCLS), lambda i: (i, 0)),
            pl.BlockSpec((BLK, 16), lambda i: (i, 0)),
        ],
        out_shape=[
            jax.ShapeDtypeStruct((NPAD, NCLS), _f32),
            jax.ShapeDtypeStruct((NPAD, 16), _f32),
        ],
    )(acc1, b1.reshape(1, D1).astype(_f32), W2.astype(_f32), acomb2)

    acc2 = pl.kernel(
        _sc_layer2,
        out_type=jax.ShapeDtypeStruct((2, NPAD, 32), _f32),
        mesh=mesh,
        compiler_params=pltpu.CompilerParams(use_tc_tiling_on_sc=False),
        scratch_types=[
            pltpu.VMEM((BLOCKS, 128), _i32),
            pltpu.VMEM((BLOCKS, 128), _i32),
            pltpu.VMEM((128, 16), _f32),
            pltpu.VMEM((128, 16), _f32),
            pltpu.VMEM((128, 16), _f32),
            pltpu.VMEM((128, 32), _f32),
            pltpu.VMEM_SHARED((NPAD, 32), _f32),
            pltpu.SemaphoreType.DMA,
            pltpu.SemaphoreType.DMA,
            pltpu.SemaphoreType.DMA,
        ],
    )(src2d, dst2d, h2, a2)

    out = pl.pallas_call(
        _tc_e,
        grid=(grid,),
        in_specs=[
            pl.BlockSpec((2, BLK, 32), lambda i: (0, i, 0)),
            pl.BlockSpec((1, NCLS), lambda i: (0, 0)),
        ],
        out_specs=pl.BlockSpec((BLK, NCLS), lambda i: (i, 0)),
        out_shape=jax.ShapeDtypeStruct((NPAD, NCLS), _f32),
    )(acc2, b2.reshape(1, NCLS).astype(_f32))

    return out[:N]

# --- scband reference (transcript-rebuilt; emitter-appended) ---
"""Pipeline reference for scband-gat-37108517437513 (READ-ONLY COPY).

The authoritative reference and input builder live on the scoring server;
editing this copy changes nothing except your own understanding.
"""

import jax, jax.numpy as jnp
import numpy as np

N = 10000
E = 320000
F_IN = 128
HID = 8
HEADS = 8
NCLS = 16


def setup_inputs(seed: int = 0):
    key = jax.random.key(seed)
    ks = jax.random.split(key, 12)
    x = jax.random.normal(ks[0], (N, F_IN), dtype=jnp.float32)
    edge_index = jax.random.randint(ks[1], (2, E), 0, N)
    edge_attr = jax.random.normal(ks[2], (E, 16), dtype=jnp.float32)
    W1 = jax.random.normal(ks[3], (F_IN, HEADS * HID), dtype=jnp.float32) * 0.1
    att_src1 = jax.random.normal(ks[4], (1, HEADS, HID), dtype=jnp.float32) * 0.1
    att_dst1 = jax.random.normal(ks[5], (1, HEADS, HID), dtype=jnp.float32) * 0.1
    b1 = jnp.zeros((HEADS * HID,), dtype=jnp.float32)
    W2 = jax.random.normal(ks[6], (HEADS * HID, NCLS), dtype=jnp.float32) * 0.1
    att_src2 = jax.random.normal(ks[7], (1, 1, NCLS), dtype=jnp.float32) * 0.1
    att_dst2 = jax.random.normal(ks[8], (1, 1, NCLS), dtype=jnp.float32) * 0.1
    b2 = jnp.zeros((NCLS,), dtype=jnp.float32)
    return {"x": x, "edge_index": edge_index, "edge_attr": edge_attr,
            "W1": W1, "att_src1": att_src1, "att_dst1": att_dst1, "b1": b1,
            "W2": W2, "att_src2": att_src2, "att_dst2": att_dst2, "b2": b2}


def gat_conv(x, src, dst, W, att_src, att_dst, bias, heads, out_ch, num_nodes):
    # Linear transform, view as [N, heads, out_ch]
    h = (x @ W).reshape(num_nodes, heads, out_ch)
    # Per-node attention logits (PyG GATConv style)
    a_src = jnp.sum(h * att_src, axis=-1)  # [N, H]
    a_dst = jnp.sum(h * att_dst, axis=-1)  # [N, H]
    alpha = a_src[src] + a_dst[dst]        # [E, H] (gather)
    alpha = jax.nn.leaky_relu(alpha, negative_slope=0.2)
    # Segment softmax over incoming edges of each dst node
    amax = jax.ops.segment_max(alpha, dst, num_segments=num_nodes)
    amax = jnp.where(jnp.isfinite(amax), amax, 0.0)
    ex = jnp.exp(alpha - amax[dst])
    denom = jax.ops.segment_sum(ex, dst, num_segments=num_nodes)
    coef = ex / (denom[dst] + 1e-16)
    # Weighted message aggregation (gather + scatter-add)
    msg = h[src] * coef[:, :, None]
    out = jax.ops.segment_sum(msg, dst, num_segments=num_nodes)
    return out.reshape(num_nodes, heads * out_ch) + bias


def reference(x, edge_index, edge_attr, W1, att_src1, att_dst1, b1, W2, att_src2, att_dst2, b2):
    x = x.astype(jnp.float32)
    edge_attr = edge_attr.astype(jnp.float32)  # cast as in original forward; unused by GATConv
    # PyG GATConv default add_self_loops=True
    loop = jnp.arange(N, dtype=edge_index.dtype)
    src = jnp.concatenate([edge_index[0], loop])
    dst = jnp.concatenate([edge_index[1], loop])
    h = gat_conv(x, src, dst, W1, att_src1, att_dst1, b1, HEADS, HID, N)
    h = jax.nn.elu(h)
    out = gat_conv(h, src, dst, W2, att_src2, att_dst2, b2, 1, NCLS, N)
    return out

if __name__ == "__main__":
    import jax
    _d = setup_inputs()
    print(jax.jit(kernel)(*tuple(_d.values())))

</pallas_src>

<mosaic_0001>
#map = affine_map<(d0, d1) -> (0, 0, 0)>
#map1 = affine_map<(d0, d1) -> (0, 0)>
module attributes {stable_mosaic.version = 14 : i64} {
  func.func @_sc_layer2(%arg0: i32, %arg1: i32, %arg2: memref<32x81x128xi32, #tpu.memory_space<hbm>>, %arg3: memref<32x81x128xi32, #tpu.memory_space<hbm>>, %arg4: memref<10240x16xf32, #tpu.memory_space<hbm>>, %arg5: memref<10240x16xf32, #tpu.memory_space<hbm>>, %arg6: memref<2x10240x32xf32, #tpu.memory_space<hbm>>, %arg7: memref<81x128xi32, #tpu.memory_space<vmem>>, %arg8: memref<81x128xi32, #tpu.memory_space<vmem>>, %arg9: memref<128x16xf32, #tpu.memory_space<vmem>>, %arg10: memref<128x16xf32, #tpu.memory_space<vmem>>, %arg11: memref<128x16xf32, #tpu.memory_space<vmem>>, %arg12: memref<128x32xf32, #tpu.memory_space<vmem>>, %arg13: memref<10240x32xf32, #tpu.memory_space<vmem_shared>>, %arg14: memref<!tpu.dma_semaphore, #tpu.memory_space<semaphore_mem>>, %arg15: memref<!tpu.dma_semaphore, #tpu.memory_space<semaphore_mem>>, %arg16: memref<!tpu.dma_semaphore, #tpu.memory_space<semaphore_mem>>) attributes {dimension_semantics = [#tpu.dimension_semantics<core_parallel>, #tpu.dimension_semantics<subcore_parallel>], iteration_bounds = array<i64: 2, 16>, scalar_prefetch = 0 : i64, scratch_operands = 10 : i64, tpu.core_type = #tpu.core_type<sc_vector_subcore>, window_params = [{transform_indices = #map}, {transform_indices = #map}, {transform_indices = #map1}, {transform_indices = #map1}, {transform_indices = #map}]} {
    %mul3A = arith.constant 16 : i32
    %mul3A_0 = arith.muli %arg0, %mul3A : i32
    %add3A = arith.addi %mul3A_0, %arg1 : i32
    %iota3A = tpu.iota {dimensions = array<i32: 0>} : vector<16xi32>
    %add3A_1 = arith.constant 1 : i32
    %add3A_2 = vector.broadcast %add3A_1 : i32 to vector<16xi32>
    %add3A_3 = arith.addi %iota3A, %add3A_2 : vector<16xi32>
    %jit3A = arith.constant 16 : i32
    %eq3A = arith.constant 0 : i32
    %eq3A_4 = arith.cmpi eq, %jit3A, %eq3A : i32
    %jit3A_5 = arith.constant 1 : i32
    %select_n3A = arith.select %eq3A_4, %jit3A_5, %jit3A : i32
    %rem3A = vector.broadcast %select_n3A : i32 to vector<16xi32>
    %rem3A_6 = arith.remsi %add3A_3, %rem3A : vector<16xi32>
    %ne3A = arith.constant 0 : i32
    %ne3A_7 = vector.broadcast %ne3A : i32 to vector<16xi32>
    %ne3A_8 = arith.cmpi ne, %rem3A_6, %ne3A_7 : vector<16xi32>
    %lt3A = arith.constant 0 : i32
    %lt3A_9 = vector.broadcast %lt3A : i32 to vector<16xi32>
    %lt3A_10 = arith.cmpi slt, %rem3A_6, %lt3A_9 : vector<16xi32>
    %lt3A_11 = arith.constant 0 : i32
    %lt3A_12 = arith.cmpi slt, %select_n3A, %lt3A_11 : i32
    %ne3A_13 = vector.broadcast %lt3A_12 : i1 to vector<16xi1>
    %ne3A_14 = vector.broadcast %ne3A_13 : vector<16xi1> to vector<16xi1>
    %ne3A_15 = arith.xori %lt3A_10, %ne3A_14 : vector<16xi1>
    %and3A = arith.andi %ne3A_15, %ne3A_8 : vector<16xi1>
    %add3A_16 = vector.broadcast %select_n3A : i32 to vector<16xi32>
    %add3A_17 = arith.addi %rem3A_6, %add3A_16 : vector<16xi32>
    %select_n3A_18 = arith.select %and3A, %add3A_17, %rem3A_6 : vector<16xi1>, vector<16xi32>
    %mul3A_19 = arith.constant 0 : i32
    %mul3A_20 = vector.broadcast %mul3A_19 : i32 to vector<16xi32>
    %mul3A_21 = arith.muli %iota3A, %mul3A_20 : vector<16xi32>
    "tpu.region"() ({
      %run_scoped3A = tpu.sem_alloc : memref<!tpu.dma_semaphore, #tpu.memory_space<semaphore_mem>>
      %dma_start3A = arith.constant 0 : i32
      %dma_start3A_52 = arith.constant 0 : i32
      %dma_start3A_53 = tpu.memref_slice %arg2[%add3A, %dma_start3A, %dma_start3A_52] : memref<32x81x128xi32, #tpu.memory_space<hbm>> -> memref<1x81x128xi32, #tpu.memory_space<hbm>>
      %dma_start3A_54 = tpu.memref_squeeze %dma_start3A_53 : memref<1x81x128xi32, #tpu.memory_space<hbm>> -> memref<81x128xi32, #tpu.memory_space<hbm>>
      %dma_start3A_55 = arith.constant 0 : i32
      %dma_start3A_56 = arith.constant 0 : i32
      %dma_start3A_57 = tpu.memref_slice %arg2[%add3A, %dma_start3A_55, %dma_start3A_56] : memref<32x81x128xi32, #tpu.memory_space<hbm>> -> memref<1x81x128xi32, #tpu.memory_space<hbm>>
      %dma_start3A_58 = tpu.memref_squeeze %dma_start3A_57 : memref<1x81x128xi32, #tpu.memory_space<hbm>> -> memref<81x128xi32, #tpu.memory_space<hbm>>
      tpu.enqueue_dma source(%dma_start3A_58 : memref<81x128xi32, #tpu.memory_space<hbm>>) target(%arg7 : memref<81x128xi32, #tpu.memory_space<vmem>>) target_semaphore(%run_scoped3A : memref<!tpu.dma_semaphore, #tpu.memory_space<semaphore_mem>>)
      %dma_wait3A = arith.constant 0 : i32
      %dma_wait3A_59 = arith.constant 0 : i32
      %dma_wait3A_60 = tpu.memref_slice %arg2[%add3A, %dma_wait3A, %dma_wait3A_59] : memref<32x81x128xi32, #tpu.memory_space<hbm>> -> memref<1x81x128xi32, #tpu.memory_space<hbm>>
      %dma_wait3A_61 = tpu.memref_squeeze %dma_wait3A_60 : memref<1x81x128xi32, #tpu.memory_space<hbm>> -> memref<81x128xi32, #tpu.memory_space<hbm>>
      %dma_wait3A_62 = arith.constant 0 : i32
      %dma_wait3A_63 = arith.constant 0 : i32
      %dma_wait3A_64 = tpu.memref_slice %arg2[%add3A, %dma_wait3A_62, %dma_wait3A_63] : memref<32x81x128xi32, #tpu.memory_space<hbm>> -> memref<1x81x128xi32, #tpu.memory_space<hbm>>
      %dma_wait3A_65 = tpu.memref_squeeze %dma_wait3A_64 : memref<1x81x128xi32, #tpu.memory_space<hbm>> -> memref<81x128xi32, #tpu.memory_space<hbm>>
      tpu.wait_dma2 semaphore(%run_scoped3A : memref<!tpu.dma_semaphore, #tpu.memory_space<semaphore_mem>>) src(%dma_wait3A_65 : memref<81x128xi32, #tpu.memory_space<hbm>>) dst(%arg7 : memref<81x128xi32, #tpu.memory_space<vmem>>)
      tpu.yield
    }) : () -> ()
    "tpu.region"() ({
      %run_scoped3A = tpu.sem_alloc : memref<!tpu.dma_semaphore, #tpu.memory_space<semaphore_mem>>
      %dma_start3A = arith.constant 0 : i32
      %dma_start3A_52 = arith.constant 0 : i32
      %dma_start3A_53 = tpu.memref_slice %arg3[%add3A, %dma_start3A, %dma_start3A_52] : memref<32x81x128xi32, #tpu.memory_space<hbm>> -> memref<1x81x128xi32, #tpu.memory_space<hbm>>
      %dma_start3A_54 = tpu.memref_squeeze %dma_start3A_53 : memref<1x81x128xi32, #tpu.memory_space<hbm>> -> memref<81x128xi32, #tpu.memory_space<hbm>>
      %dma_start3A_55 = arith.constant 0 : i32
      %dma_start3A_56 = arith.constant 0 : i32
      %dma_start3A_57 = tpu.memref_slice %arg3[%add3A, %dma_start3A_55, %dma_start3A_56] : memref<32x81x128xi32, #tpu.memory_space<hbm>> -> memref<1x81x128xi32, #tpu.memory_space<hbm>>
      %dma_start3A_58 = tpu.memref_squeeze %dma_start3A_57 : memref<1x81x128xi32, #tpu.memory_space<hbm>> -> memref<81x128xi32, #tpu.memory_space<hbm>>
      tpu.enqueue_dma source(%dma_start3A_58 : memref<81x128xi32, #tpu.memory_space<hbm>>) target(%arg8 : memref<81x128xi32, #tpu.memory_space<vmem>>) target_semaphore(%run_scoped3A : memref<!tpu.dma_semaphore, #tpu.memory_space<semaphore_mem>>)
      %dma_wait3A = arith.constant 0 : i32
      %dma_wait3A_59 = arith.constant 0 : i32
      %dma_wait3A_60 = tpu.memref_slice %arg3[%add3A, %dma_wait3A, %dma_wait3A_59] : memref<32x81x128xi32, #tpu.memory_space<hbm>> -> memref<1x81x128xi32, #tpu.memory_space<hbm>>
      %dma_wait3A_61 = tpu.memref_squeeze %dma_wait3A_60 : memref<1x81x128xi32, #tpu.memory_space<hbm>> -> memref<81x128xi32, #tpu.memory_space<hbm>>
      %dma_wait3A_62 = arith.constant 0 : i32
      %dma_wait3A_63 = arith.constant 0 : i32
      %dma_wait3A_64 = tpu.memref_slice %arg3[%add3A, %dma_wait3A_62, %dma_wait3A_63] : memref<32x81x128xi32, #tpu.memory_space<hbm>> -> memref<1x81x128xi32, #tpu.memory_space<hbm>>
      %dma_wait3A_65 = tpu.memref_squeeze %dma_wait3A_64 : memref<1x81x128xi32, #tpu.memory_space<hbm>> -> memref<81x128xi32, #tpu.memory_space<hbm>>
      tpu.wait_dma2 semaphore(%run_scoped3A : memref<!tpu.dma_semaphore, #tpu.memory_space<semaphore_mem>>) src(%dma_wait3A_65 : memref<81x128xi32, #tpu.memory_space<hbm>>) dst(%arg8 : memref<81x128xi32, #tpu.memory_space<vmem>>)
      tpu.yield
    }) : () -> ()
    %parallel_loop3A = arith.constant 0 : i32
    %parallel_loop3A_22 = arith.constant 128 : i32
    %parallel_loop3A_23 = arith.constant 1 : i32
    scf.for %parallel_loop3A_52 = %parallel_loop3A to %parallel_loop3A_22 step %parallel_loop3A_23  : i32 {
      %parallel_loop3A_53 = arith.constant 0.000000e+00 : f32
      %parallel_loop3A_54 = vector.broadcast %parallel_loop3A_53 : f32 to vector<16xf32>
      %parallel_loop3A_55 = arith.index_cast %parallel_loop3A_52 : i32 to index
      %parallel_loop3A_56 = arith.constant 0 : index
      %parallel_loop3A_57 = tpu.vector_load %arg12[%parallel_loop3A_55, %parallel_loop3A_56] {strides = array<i32>} : memref<128x32xf32, #tpu.memory_space<vmem>>, vector<1x16xf32>,
      %parallel_loop3A_58 = vector.shape_cast %parallel_loop3A_57 : vector<1x16xf32> to vector<16xf32>
      %parallel_loop3A_59 = vector.shape_cast %parallel_loop3A_54 : vector<16xf32> to vector<1x16xf32>
      tpu.vector_store %arg12[%parallel_loop3A_55, %parallel_loop3A_56], %parallel_loop3A_59 {strides = array<i32>} : memref<128x32xf32, #tpu.memory_space<vmem>>, vector<1x16xf32>,
      %parallel_loop3A_60 = arith.constant 0.000000e+00 : f32
      %parallel_loop3A_61 = vector.broadcast %parallel_loop3A_60 : f32 to vector<16xf32>
      %parallel_loop3A_62 = arith.index_cast %parallel_loop3A_52 : i32 to index
      %parallel_loop3A_63 = arith.constant 16 : index
      %parallel_loop3A_64 = tpu.vector_load %arg12[%parallel_loop3A_62, %parallel_loop3A_63] {strides = array<i32>} : memref<128x32xf32, #tpu.memory_space<vmem>>, vector<1x16xf32>,
      %parallel_loop3A_65 = vector.shape_cast %parallel_loop3A_64 : vector<1x16xf32> to vector<16xf32>
      %parallel_loop3A_66 = vector.shape_cast %parallel_loop3A_61 : vector<16xf32> to vector<1x16xf32>
      tpu.vector_store %arg12[%parallel_loop3A_62, %parallel_loop3A_63], %parallel_loop3A_66 {strides = array<i32>} : memref<128x32xf32, #tpu.memory_space<vmem>>, vector<1x16xf32>,
    } {sc.loop_unroll_factor = 4 : i64, sc.parallel_access}
    %mul3A_24 = arith.constant 640 : i32
    %mul3A_25 = arith.muli %arg1, %mul3A_24 : i32
    %add3A_26 = arith.constant 0 : i32
    %add3A_27 = arith.addi %mul3A_25, %add3A_26 : i32
    "tpu.region"() ({
      %run_scoped3A = tpu.sem_alloc : memref<!tpu.dma_semaphore, #tpu.memory_space<semaphore_mem>>
      %dma_start3A = arith.constant 0 : i32
      %dma_start3A_52 = tpu.memref_slice %arg13[%add3A_27, %dma_start3A] : memref<10240x32xf32, #tpu.memory_space<vmem_shared>> -> memref<128x32xf32, #tpu.memory_space<vmem_shared>>
      %dma_start3A_53 = arith.constant 0 : i32
      %dma_start3A_54 = tpu.memref_slice %arg13[%add3A_27, %dma_start3A_53] : memref<10240x32xf32, #tpu.memory_space<vmem_shared>> -> memref<128x32xf32, #tpu.memory_space<vmem_shared>>
      tpu.enqueue_dma source(%arg12 : memref<128x32xf32, #tpu.memory_space<vmem>>) target(%dma_start3A_54 : memref<128x32xf32, #tpu.memory_space<vmem_shared>>) target_semaphore(%run_scoped3A : memref<!tpu.dma_semaphore, #tpu.memory_space<semaphore_mem>>)
      %dma_wait3A = arith.constant 0 : i32
      %dma_wait3A_55 = tpu.memref_slice %arg13[%add3A_27, %dma_wait3A] : memref<10240x32xf32, #tpu.memory_space<vmem_shared>> -> memref<128x32xf32, #tpu.memory_space<vmem_shared>>
      %dma_wait3A_56 = arith.constant 0 : i32
      %dma_wait3A_57 = tpu.memref_slice %arg13[%add3A_27, %dma_wait3A_56] : memref<10240x32xf32, #tpu.memory_space<vmem_shared>> -> memref<128x32xf32, #tpu.memory_space<vmem_shared>>
      tpu.wait_dma2 semaphore(%run_scoped3A : memref<!tpu.dma_semaphore, #tpu.memory_space<semaphore_mem>>) src(%arg12 : memref<128x32xf32, #tpu.memory_space<vmem>>) dst(%dma_wait3A_57 : memref<128x32xf32, #tpu.memory_space<vmem_shared>>)
      tpu.yield
    }) : () -> ()
    %add3A_28 = arith.constant 128 : i32
    %add3A_29 = arith.addi %mul3A_25, %add3A_28 : i32
    "tpu.region"() ({
      %run_scoped3A = tpu.sem_alloc : memref<!tpu.dma_semaphore, #tpu.memory_space<semaphore_mem>>
      %dma_start3A = arith.constant 0 : i32
      %dma_start3A_52 = tpu.memref_slice %arg13[%add3A_29, %dma_start3A] : memref<10240x32xf32, #tpu.memory_space<vmem_shared>> -> memref<128x32xf32, #tpu.memory_space<vmem_shared>>
      %dma_start3A_53 = arith.constant 0 : i32
      %dma_start3A_54 = tpu.memref_slice %arg13[%add3A_29, %dma_start3A_53] : memref<10240x32xf32, #tpu.memory_space<vmem_shared>> -> memref<128x32xf32, #tpu.memory_space<vmem_shared>>
      tpu.enqueue_dma source(%arg12 : memref<128x32xf32, #tpu.memory_space<vmem>>) target(%dma_start3A_54 : memref<128x32xf32, #tpu.memory_space<vmem_shared>>) target_semaphore(%run_scoped3A : memref<!tpu.dma_semaphore, #tpu.memory_space<semaphore_mem>>)
      %dma_wait3A = arith.constant 0 : i32
      %dma_wait3A_55 = tpu.memref_slice %arg13[%add3A_29, %dma_wait3A] : memref<10240x32xf32, #tpu.memory_space<vmem_shared>> -> memref<128x32xf32, #tpu.memory_space<vmem_shared>>
      %dma_wait3A_56 = arith.constant 0 : i32
      %dma_wait3A_57 = tpu.memref_slice %arg13[%add3A_29, %dma_wait3A_56] : memref<10240x32xf32, #tpu.memory_space<vmem_shared>> -> memref<128x32xf32, #tpu.memory_space<vmem_shared>>
      tpu.wait_dma2 semaphore(%run_scoped3A : memref<!tpu.dma_semaphore, #tpu.memory_space<semaphore_mem>>) src(%arg12 : memref<128x32xf32, #tpu.memory_space<vmem>>) dst(%dma_wait3A_57 : memref<128x32xf32, #tpu.memory_space<vmem_shared>>)
      tpu.yield
    }) : () -> ()
    %add3A_30 = arith.constant 256 : i32
    %add3A_31 = arith.addi %mul3A_25, %add3A_30 : i32
    "tpu.region"() ({
      %run_scoped3A = tpu.sem_alloc : memref<!tpu.dma_semaphore, #tpu.memory_space<semaphore_mem>>
      %dma_start3A = arith.constant 0 : i32
      %dma_start3A_52 = tpu.memref_slice %arg13[%add3A_31, %dma_start3A] : memref<10240x32xf32, #tpu.memory_space<vmem_shared>> -> memref<128x32xf32, #tpu.memory_space<vmem_shared>>
      %dma_start3A_53 = arith.constant 0 : i32
      %dma_start3A_54 = tpu.memref_slice %arg13[%add3A_31, %dma_start3A_53] : memref<10240x32xf32, #tpu.memory_space<vmem_shared>> -> memref<128x32xf32, #tpu.memory_space<vmem_shared>>
      tpu.enqueue_dma source(%arg12 : memref<128x32xf32, #tpu.memory_space<vmem>>) target(%dma_start3A_54 : memref<128x32xf32, #tpu.memory_space<vmem_shared>>) target_semaphore(%run_scoped3A : memref<!tpu.dma_semaphore, #tpu.memory_space<semaphore_mem>>)
      %dma_wait3A = arith.constant 0 : i32
      %dma_wait3A_55 = tpu.memref_slice %arg13[%add3A_31, %dma_wait3A] : memref<10240x32xf32, #tpu.memory_space<vmem_shared>> -> memref<128x32xf32, #tpu.memory_space<vmem_shared>>
      %dma_wait3A_56 = arith.constant 0 : i32
      %dma_wait3A_57 = tpu.memref_slice %arg13[%add3A_31, %dma_wait3A_56] : memref<10240x32xf32, #tpu.memory_space<vmem_shared>> -> memref<128x32xf32, #tpu.memory_space<vmem_shared>>
      tpu.wait_dma2 semaphore(%run_scoped3A : memref<!tpu.dma_semaphore, #tpu.memory_space<semaphore_mem>>) src(%arg12 : memref<128x32xf32, #tpu.memory_space<vmem>>) dst(%dma_wait3A_57 : memref<128x32xf32, #tpu.memory_space<vmem_shared>>)
      tpu.yield
    }) : () -> ()
    %add3A_32 = arith.constant 384 : i32
    %add3A_33 = arith.addi %mul3A_25, %add3A_32 : i32
    "tpu.region"() ({
      %run_scoped3A = tpu.sem_alloc : memref<!tpu.dma_semaphore, #tpu.memory_space<semaphore_mem>>
      %dma_start3A = arith.constant 0 : i32
      %dma_start3A_52 = tpu.memref_slice %arg13[%add3A_33, %dma_start3A] : memref<10240x32xf32, #tpu.memory_space<vmem_shared>> -> memref<128x32xf32, #tpu.memory_space<vmem_shared>>
      %dma_start3A_53 = arith.constant 0 : i32
      %dma_start3A_54 = tpu.memref_slice %arg13[%add3A_33, %dma_start3A_53] : memref<10240x32xf32, #tpu.memory_space<vmem_shared>> -> memref<128x32xf32, #tpu.memory_space<vmem_shared>>
      tpu.enqueue_dma source(%arg12 : memref<128x32xf32, #tpu.memory_space<vmem>>) target(%dma_start3A_54 : memref<128x32xf32, #tpu.memory_space<vmem_shared>>) target_semaphore(%run_scoped3A : memref<!tpu.dma_semaphore, #tpu.memory_space<semaphore_mem>>)
      %dma_wait3A = arith.constant 0 : i32
      %dma_wait3A_55 = tpu.memref_slice %arg13[%add3A_33, %dma_wait3A] : memref<10240x32xf32, #tpu.memory_space<vmem_shared>> -> memref<128x32xf32, #tpu.memory_space<vmem_shared>>
      %dma_wait3A_56 = arith.constant 0 : i32
      %dma_wait3A_57 = tpu.memref_slice %arg13[%add3A_33, %dma_wait3A_56] : memref<10240x32xf32, #tpu.memory_space<vmem_shared>> -> memref<128x32xf32, #tpu.memory_space<vmem_shared>>
      tpu.wait_dma2 semaphore(%run_scoped3A : memref<!tpu.dma_semaphore, #tpu.memory_space<semaphore_mem>>) src(%arg12 : memref<128x32xf32, #tpu.memory_space<vmem>>) dst(%dma_wait3A_57 : memref<128x32xf32, #tpu.memory_space<vmem_shared>>)
      tpu.yield
    }) : () -> ()
    %add3A_34 = arith.constant 512 : i32
    %add3A_35 = arith.addi %mul3A_25, %add3A_34 : i32
    "tpu.region"() ({
      %run_scoped3A = tpu.sem_alloc : memref<!tpu.dma_semaphore, #tpu.memory_space<semaphore_mem>>
      %dma_start3A = arith.constant 0 : i32
      %dma_start3A_52 = tpu.memref_slice %arg13[%add3A_35, %dma_start3A] : memref<10240x32xf32, #tpu.memory_space<vmem_shared>> -> memref<128x32xf32, #tpu.memory_space<vmem_shared>>
      %dma_start3A_53 = arith.constant 0 : i32
      %dma_start3A_54 = tpu.memref_slice %arg13[%add3A_35, %dma_start3A_53] : memref<10240x32xf32, #tpu.memory_space<vmem_shared>> -> memref<128x32xf32, #tpu.memory_space<vmem_shared>>
      tpu.enqueue_dma source(%arg12 : memref<128x32xf32, #tpu.memory_space<vmem>>) target(%dma_start3A_54 : memref<128x32xf32, #tpu.memory_space<vmem_shared>>) target_semaphore(%run_scoped3A : memref<!tpu.dma_semaphore, #tpu.memory_space<semaphore_mem>>)
      %dma_wait3A = arith.constant 0 : i32
      %dma_wait3A_55 = tpu.memref_slice %arg13[%add3A_35, %dma_wait3A] : memref<10240x32xf32, #tpu.memory_space<vmem_shared>> -> memref<128x32xf32, #tpu.memory_space<vmem_shared>>
      %dma_wait3A_56 = arith.constant 0 : i32
      %dma_wait3A_57 = tpu.memref_slice %arg13[%add3A_35, %dma_wait3A_56] : memref<10240x32xf32, #tpu.memory_space<vmem_shared>> -> memref<128x32xf32, #tpu.memory_space<vmem_shared>>
      tpu.wait_dma2 semaphore(%run_scoped3A : memref<!tpu.dma_semaphore, #tpu.memory_space<semaphore_mem>>) src(%arg12 : memref<128x32xf32, #tpu.memory_space<vmem>>) dst(%dma_wait3A_57 : memref<128x32xf32, #tpu.memory_space<vmem_shared>>)
      tpu.yield
    }) : () -> ()
    %barrier3A = arith.constant 0 : index
    tpu.barrier barrier_id(%barrier3A)
    %scan3A = arith.constant 0 : i32
    %scan3A_36 = arith.constant 0 : i32
    %scan3A_37 = arith.constant 81 : i32
    %scan3A_38 = arith.addi %scan3A_36, %scan3A_37 : i32
    %scan3A_39 = arith.constant 1 : i32
    scf.for %scan3A_52 = %scan3A_36 to %scan3A_38 step %scan3A_39  : i32 {
      %dma_start3A = arith.constant 0 : i32
      %dma_start3A_53 = tpu.memref_slice %arg7[%scan3A_52, %dma_start3A] : memref<81x128xi32, #tpu.memory_space<vmem>> -> memref<1x128xi32, #tpu.memory_space<vmem>>
      %dma_start3A_54 = tpu.memref_squeeze %dma_start3A_53 : memref<1x128xi32, #tpu.memory_space<vmem>> -> memref<128xi32, #tpu.memory_space<vmem>>
      %dma_start3A_55 = arith.constant 0 : i32
      %dma_start3A_56 = arith.constant 0 : i32
      %dma_start3A_57 = tpu.memref_slice %arg4[%dma_start3A_55, %dma_start3A_56] : memref<10240x16xf32, #tpu.memory_space<hbm>> -> memref<10240x16xf32, #tpu.memory_space<hbm>>
      tpu.enqueue_indirect_dma source(%dma_start3A_57 : memref<10240x16xf32, #tpu.memory_space<hbm>>) target(%arg11 : memref<128x16xf32, #tpu.memory_space<vmem>>) offsets(%dma_start3A_54 : memref<128xi32, #tpu.memory_space<vmem>>) semaphore(%arg14 : memref<!tpu.dma_semaphore, #tpu.memory_space<semaphore_mem>>)
      %dma_start3A_58 = arith.constant 0 : i32
      %dma_start3A_59 = tpu.memref_slice %arg7[%scan3A_52, %dma_start3A_58] : memref<81x128xi32, #tpu.memory_space<vmem>> -> memref<1x128xi32, #tpu.memory_space<vmem>>
      %dma_start3A_60 = tpu.memref_squeeze %dma_start3A_59 : memref<1x128xi32, #tpu.memory_space<vmem>> -> memref<128xi32, #tpu.memory_space<vmem>>
      %dma_start3A_61 = arith.constant 0 : i32
      %dma_start3A_62 = arith.constant 0 : i32
      %dma_start3A_63 = tpu.memref_slice %arg5[%dma_start3A_61, %dma_start3A_62] : memref<10240x16xf32, #tpu.memory_space<hbm>> -> memref<10240x16xf32, #tpu.memory_space<hbm>>
      tpu.enqueue_indirect_dma source(%dma_start3A_63 : memref<10240x16xf32, #tpu.memory_space<hbm>>) target(%arg9 : memref<128x16xf32, #tpu.memory_space<vmem>>) offsets(%dma_start3A_60 : memref<128xi32, #tpu.memory_space<vmem>>) semaphore(%arg15 : memref<!tpu.dma_semaphore, #tpu.memory_space<semaphore_mem>>)
      %dma_start3A_64 = arith.constant 0 : i32
      %dma_start3A_65 = tpu.memref_slice %arg8[%scan3A_52, %dma_start3A_64] : memref<81x128xi32, #tpu.memory_space<vmem>> -> memref<1x128xi32, #tpu.memory_space<vmem>>
      %dma_start3A_66 = tpu.memref_squeeze %dma_start3A_65 : memref<1x128xi32, #tpu.memory_space<vmem>> -> memref<128xi32, #tpu.memory_space<vmem>>
      %dma_start3A_67 = arith.constant 0 : i32
      %dma_start3A_68 = arith.constant 0 : i32
      %dma_start3A_69 = tpu.memref_slice %arg5[%dma_start3A_67, %dma_start3A_68] : memref<10240x16xf32, #tpu.memory_space<hbm>> -> memref<10240x16xf32, #tpu.memory_space<hbm>>
      tpu.enqueue_indirect_dma source(%dma_start3A_69 : memref<10240x16xf32, #tpu.memory_space<hbm>>) target(%arg10 : memref<128x16xf32, #tpu.memory_space<vmem>>) offsets(%dma_start3A_66 : memref<128xi32, #tpu.memory_space<vmem>>) semaphore(%arg16 : memref<!tpu.dma_semaphore, #tpu.memory_space<semaphore_mem>>)
      %dma_wait3A = arith.constant 0 : i32
      %dma_wait3A_70 = tpu.memref_slice %arg7[%scan3A_52, %dma_wait3A] : memref<81x128xi32, #tpu.memory_space<vmem>> -> memref<1x128xi32, #tpu.memory_space<vmem>>
      %dma_wait3A_71 = tpu.memref_squeeze %dma_wait3A_70 : memref<1x128xi32, #tpu.memory_space<vmem>> -> memref<128xi32, #tpu.memory_space<vmem>>
      %dma_wait3A_72 = arith.constant 0 : i32
      %dma_wait3A_73 = arith.constant 0 : i32
      %dma_wait3A_74 = tpu.memref_slice %arg4[%dma_wait3A_72, %dma_wait3A_73] : memref<10240x16xf32, #tpu.memory_space<hbm>> -> memref<10240x16xf32, #tpu.memory_space<hbm>>
      tpu.wait_indirect_dma semaphore(%arg14 : memref<!tpu.dma_semaphore, #tpu.memory_space<semaphore_mem>>) src(%dma_wait3A_74 : memref<10240x16xf32, #tpu.memory_space<hbm>>) dst(%arg11 : memref<128x16xf32, #tpu.memory_space<vmem>>)
      %dma_wait3A_75 = arith.constant 0 : i32
      %dma_wait3A_76 = tpu.memref_slice %arg7[%scan3A_52, %dma_wait3A_75] : memref<81x128xi32, #tpu.memory_space<vmem>> -> memref<1x128xi32, #tpu.memory_space<vmem>>
      %dma_wait3A_77 = tpu.memref_squeeze %dma_wait3A_76 : memref<1x128xi32, #tpu.memory_space<vmem>> -> memref<128xi32, #tpu.memory_space<vmem>>
      %dma_wait3A_78 = arith.constant 0 : i32
      %dma_wait3A_79 = arith.constant 0 : i32
      %dma_wait3A_80 = tpu.memref_slice %arg5[%dma_wait3A_78, %dma_wait3A_79] : memref<10240x16xf32, #tpu.memory_space<hbm>> -> memref<10240x16xf32, #tpu.memory_space<hbm>>
      tpu.wait_indirect_dma semaphore(%arg15 : memref<!tpu.dma_semaphore, #tpu.memory_space<semaphore_mem>>) src(%dma_wait3A_80 : memref<10240x16xf32, #tpu.memory_space<hbm>>) dst(%arg9 : memref<128x16xf32, #tpu.memory_space<vmem>>)
      %dma_wait3A_81 = arith.constant 0 : i32
      %dma_wait3A_82 = tpu.memref_slice %arg8[%scan3A_52, %dma_wait3A_81] : memref<81x128xi32, #tpu.memory_space<vmem>> -> memref<1x128xi32, #tpu.memory_space<vmem>>
      %dma_wait3A_83 = tpu.memref_squeeze %dma_wait3A_82 : memref<1x128xi32, #tpu.memory_space<vmem>> -> memref<128xi32, #tpu.memory_space<vmem>>
      %dma_wait3A_84 = arith.constant 0 : i32
      %dma_wait3A_85 = arith.constant 0 : i32
      %dma_wait3A_86 = tpu.memref_slice %arg5[%dma_wait3A_84, %dma_wait3A_85] : memref<10240x16xf32, #tpu.memory_space<hbm>> -> memref<10240x16xf32, #tpu.memory_space<hbm>>
      tpu.wait_indirect_dma semaphore(%arg16 : memref<!tpu.dma_semaphore, #tpu.memory_space<semaphore_mem>>) src(%dma_wait3A_86 : memref<10240x16xf32, #tpu.memory_space<hbm>>) dst(%arg10 : memref<128x16xf32, #tpu.memory_space<vmem>>)
      %parallel_loop3A_87 = arith.constant 0 : i32
      %parallel_loop3A_88 = arith.constant 128 : i32
      %parallel_loop3A_89 = arith.constant 1 : i32
      scf.for %parallel_loop3A_90 = %parallel_loop3A_87 to %parallel_loop3A_88 step %parallel_loop3A_89  : i32 {
        %parallel_loop3A_91 = arith.index_cast %parallel_loop3A_90 : i32 to index
        %parallel_loop3A_92 = arith.constant 0 : index
        %parallel_loop3A_93 = tpu.vector_load %arg9[%parallel_loop3A_91, %parallel_loop3A_92] {strides = array<i32>} : memref<128x16xf32, #tpu.memory_space<vmem>>, vector<1x16xf32>,
        %parallel_loop3A_94 = vector.shape_cast %parallel_loop3A_93 : vector<1x16xf32> to vector<16xf32>
        %parallel_loop3A_95 = arith.index_cast %parallel_loop3A_90 : i32 to index
        %parallel_loop3A_96 = arith.constant 0 : index
        %parallel_loop3A_97 = tpu.vector_load %arg10[%parallel_loop3A_95, %parallel_loop3A_96] {strides = array<i32>} : memref<128x16xf32, #tpu.memory_space<vmem>>, vector<1x16xf32>,
        %parallel_loop3A_98 = vector.shape_cast %parallel_loop3A_97 : vector<1x16xf32> to vector<16xf32>
        %parallel_loop3A_99 = vector.shape_cast %select_n3A_18 : vector<16xi32> to vector<16x1xi32>
        %parallel_loop3A_100 = vector.shape_cast %parallel_loop3A_99 : vector<16x1xi32> to vector<16xi32>
        %parallel_loop3A_101 = tpu.dynamic_gather %parallel_loop3A_98[%parallel_loop3A_100] in [0] : vector<16xf32>, vector<16xi32> -> vector<16xf32>
        %parallel_loop3A_102 = arith.addf %parallel_loop3A_94, %parallel_loop3A_101 : vector<16xf32>
        %parallel_loop3A_103 = arith.constant 0.000000e+00 : f32
        %parallel_loop3A_104 = vector.broadcast %parallel_loop3A_103 : f32 to vector<16xf32>
        %parallel_loop3A_105 = arith.cmpf ogt, %parallel_loop3A_102, %parallel_loop3A_104 : vector<16xf32>
        %parallel_loop3A_106 = arith.constant 2.000000e-01 : f32
        %parallel_loop3A_107 = vector.broadcast %parallel_loop3A_106 : f32 to vector<16xf32>
        %parallel_loop3A_108 = arith.mulf %parallel_loop3A_107, %parallel_loop3A_102 : vector<16xf32>
        %parallel_loop3A_109 = arith.select %parallel_loop3A_105, %parallel_loop3A_102, %parallel_loop3A_108 : vector<16xi1>, vector<16xf32>
        %parallel_loop3A_110 = math.exp %parallel_loop3A_109 : vector<16xf32>
        %parallel_loop3A_111 = vector.shape_cast %mul3A_21 : vector<16xi32> to vector<16x1xi32>
        %parallel_loop3A_112 = vector.shape_cast %parallel_loop3A_111 : vector<16x1xi32> to vector<16xi32>
        %parallel_loop3A_113 = tpu.dynamic_gather %parallel_loop3A_110[%parallel_loop3A_112] in [0] : vector<16xf32>, vector<16xi32> -> vector<16xf32>
        %parallel_loop3A_114 = arith.index_cast %parallel_loop3A_90 : i32 to index
        %parallel_loop3A_115 = arith.constant 0 : index
        %parallel_loop3A_116 = tpu.vector_load %arg11[%parallel_loop3A_114, %parallel_loop3A_115] {strides = array<i32>} : memref<128x16xf32, #tpu.memory_space<vmem>>, vector<1x16xf32>,
        %parallel_loop3A_117 = vector.shape_cast %parallel_loop3A_116 : vector<1x16xf32> to vector<16xf32>
        %parallel_loop3A_118 = arith.mulf %parallel_loop3A_117, %parallel_loop3A_113 : vector<16xf32>
        %parallel_loop3A_119 = arith.index_cast %parallel_loop3A_90 : i32 to index
        %parallel_loop3A_120 = arith.constant 0 : index
        %parallel_loop3A_121 = tpu.vector_load %arg12[%parallel_loop3A_119, %parallel_loop3A_120] {strides = array<i32>} : memref<128x32xf32, #tpu.memory_space<vmem>>, vector<1x16xf32>,
        %parallel_loop3A_122 = vector.shape_cast %parallel_loop3A_121 : vector<1x16xf32> to vector<16xf32>
        %parallel_loop3A_123 = vector.shape_cast %parallel_loop3A_118 : vector<16xf32> to vector<1x16xf32>
        tpu.vector_store %arg12[%parallel_loop3A_119, %parallel_loop3A_120], %parallel_loop3A_123 {strides = array<i32>} : memref<128x32xf32, #tpu.memory_space<vmem>>, vector<1x16xf32>,
        %parallel_loop3A_124 = arith.constant 0 : i32
        %parallel_loop3A_125 = vector.broadcast %parallel_loop3A_124 : i32 to vector<16xi32>
        %parallel_loop3A_126 = arith.cmpi eq, %iota3A, %parallel_loop3A_125 : vector<16xi32>
        %parallel_loop3A_127 = arith.constant 0.000000e+00 : f32
        %parallel_loop3A_128 = vector.broadcast %parallel_loop3A_127 : f32 to vector<16xf32>
        %parallel_loop3A_129 = arith.select %parallel_loop3A_126, %parallel_loop3A_113, %parallel_loop3A_128 : vector<16xi1>, vector<16xf32>
        %parallel_loop3A_130 = arith.index_cast %parallel_loop3A_90 : i32 to index
        %parallel_loop3A_131 = arith.constant 16 : index
        %parallel_loop3A_132 = tpu.vector_load %arg12[%parallel_loop3A_130, %parallel_loop3A_131] {strides = array<i32>} : memref<128x32xf32, #tpu.memory_space<vmem>>, vector<1x16xf32>,
        %parallel_loop3A_133 = vector.shape_cast %parallel_loop3A_132 : vector<1x16xf32> to vector<16xf32>
        %parallel_loop3A_134 = vector.shape_cast %parallel_loop3A_129 : vector<16xf32> to vector<1x16xf32>
        tpu.vector_store %arg12[%parallel_loop3A_130, %parallel_loop3A_131], %parallel_loop3A_134 {strides = array<i32>} : memref<128x32xf32, #tpu.memory_space<vmem>>, vector<1x16xf32>,
      } {sc.loop_unroll_factor = 8 : i64, sc.parallel_access}
      "tpu.region"() ({
        %run_scoped3A = tpu.sem_alloc : memref<!tpu.dma_semaphore, #tpu.memory_space<semaphore_mem>>
        %dma_start3A_90 = arith.constant 0 : i32
        %dma_start3A_91 = tpu.memref_slice %arg8[%scan3A_52, %dma_start3A_90] : memref<81x128xi32, #tpu.memory_space<vmem>> -> memref<1x128xi32, #tpu.memory_space<vmem>>
        %dma_start3A_92 = tpu.memref_squeeze %dma_start3A_91 : memref<1x128xi32, #tpu.memory_space<vmem>> -> memref<128xi32, #tpu.memory_space<vmem>>
        %dma_start3A_93 = arith.constant 0 : i32
        %dma_start3A_94 = arith.constant 0 : i32
        %dma_start3A_95 = tpu.memref_slice %arg13[%dma_start3A_93, %dma_start3A_94] : memref<10240x32xf32, #tpu.memory_space<vmem_shared>> -> memref<10240x32xf32, #tpu.memory_space<vmem_shared>>
        tpu.enqueue_indirect_dma source(%arg12 : memref<128x32xf32, #tpu.memory_space<vmem>>) target(%dma_start3A_95 : memref<10240x32xf32, #tpu.memory_space<vmem_shared>>) offsets(%dma_start3A_92 : memref<128xi32, #tpu.memory_space<vmem>>) semaphore(%run_scoped3A : memref<!tpu.dma_semaphore, #tpu.memory_space<semaphore_mem>>) {add = true}
        %dma_wait3A_96 = arith.constant 0 : i32
        %dma_wait3A_97 = tpu.memref_slice %arg8[%scan3A_52, %dma_wait3A_96] : memref<81x128xi32, #tpu.memory_space<vmem>> -> memref<1x128xi32, #tpu.memory_space<vmem>>
        %dma_wait3A_98 = tpu.memref_squeeze %dma_wait3A_97 : memref<1x128xi32, #tpu.memory_space<vmem>> -> memref<128xi32, #tpu.memory_space<vmem>>
        %dma_wait3A_99 = arith.constant 0 : i32
        %dma_wait3A_100 = arith.constant 0 : i32
        %dma_wait3A_101 = tpu.memref_slice %arg13[%dma_wait3A_99, %dma_wait3A_100] : memref<10240x32xf32, #tpu.memory_space<vmem_shared>> -> memref<10240x32xf32, #tpu.memory_space<vmem_shared>>
        tpu.wait_indirect_dma semaphore(%run_scoped3A : memref<!tpu.dma_semaphore, #tpu.memory_space<semaphore_mem>>) src(%arg12 : memref<128x32xf32, #tpu.memory_space<vmem>>) dst(%dma_wait3A_101 : memref<10240x32xf32, #tpu.memory_space<vmem_shared>>)
        tpu.yield
      }) : () -> ()
    }
    %scan3A_40 = arith.constant 81 : i32
    %barrier3A_41 = arith.constant 0 : index
    tpu.barrier barrier_id(%barrier3A_41)
    %add3A_42 = arith.constant 0 : i32
    %add3A_43 = arith.addi %mul3A_25, %add3A_42 : i32
    "tpu.region"() ({
      %run_scoped3A = tpu.sem_alloc : memref<!tpu.dma_semaphore, #tpu.memory_space<semaphore_mem>>
      %dma_start3A = arith.constant 0 : i32
      %dma_start3A_52 = tpu.memref_slice %arg6[%arg0, %add3A_43, %dma_start3A] : memref<2x10240x32xf32, #tpu.memory_space<hbm>> -> memref<1x128x32xf32, #tpu.memory_space<hbm>>
      %dma_start3A_53 = tpu.memref_squeeze %dma_start3A_52 : memref<1x128x32xf32, #tpu.memory_space<hbm>> -> memref<128x32xf32, #tpu.memory_space<hbm>>
      %dma_start3A_54 = arith.constant 0 : i32
      %dma_start3A_55 = tpu.memref_slice %arg13[%add3A_43, %dma_start3A_54] : memref<10240x32xf32, #tpu.memory_space<vmem_shared>> -> memref<128x32xf32, #tpu.memory_space<vmem_shared>>
      tpu.enqueue_dma source(%dma_start3A_55 : memref<128x32xf32, #tpu.memory_space<vmem_shared>>) target(%dma_start3A_53 : memref<128x32xf32, #tpu.memory_space<hbm>>) target_semaphore(%run_scoped3A : memref<!tpu.dma_semaphore, #tpu.memory_space<semaphore_mem>>)
      %dma_wait3A = arith.constant 0 : i32
      %dma_wait3A_56 = tpu.memref_slice %arg6[%arg0, %add3A_43, %dma_wait3A] : memref<2x10240x32xf32, #tpu.memory_space<hbm>> -> memref<1x128x32xf32, #tpu.memory_space<hbm>>
      %dma_wait3A_57 = tpu.memref_squeeze %dma_wait3A_56 : memref<1x128x32xf32, #tpu.memory_space<hbm>> -> memref<128x32xf32, #tpu.memory_space<hbm>>
      %dma_wait3A_58 = arith.constant 0 : i32
      %dma_wait3A_59 = tpu.memref_slice %arg13[%add3A_43, %dma_wait3A_58] : memref<10240x32xf32, #tpu.memory_space<vmem_shared>> -> memref<128x32xf32, #tpu.memory_space<vmem_shared>>
      tpu.wait_dma2 semaphore(%run_scoped3A : memref<!tpu.dma_semaphore, #tpu.memory_space<semaphore_mem>>) src(%dma_wait3A_59 : memref<128x32xf32, #tpu.memory_space<vmem_shared>>) dst(%dma_wait3A_57 : memref<128x32xf32, #tpu.memory_space<hbm>>)
      tpu.yield
    }) : () -> ()
    %add3A_44 = arith.constant 128 : i32
    %add3A_45 = arith.addi %mul3A_25, %add3A_44 : i32
    "tpu.region"() ({
      %run_scoped3A = tpu.sem_alloc : memref<!tpu.dma_semaphore, #tpu.memory_space<semaphore_mem>>
      %dma_start3A = arith.constant 0 : i32
      %dma_start3A_52 = tpu.memref_slice %arg6[%arg0, %add3A_45, %dma_start3A] : memref<2x10240x32xf32, #tpu.memory_space<hbm>> -> memref<1x128x32xf32, #tpu.memory_space<hbm>>
      %dma_start3A_53 = tpu.memref_squeeze %dma_start3A_52 : memref<1x128x32xf32, #tpu.memory_space<hbm>> -> memref<128x32xf32, #tpu.memory_space<hbm>>
      %dma_start3A_54 = arith.constant 0 : i32
      %dma_start3A_55 = tpu.memref_slice %arg13[%add3A_45, %dma_start3A_54] : memref<10240x32xf32, #tpu.memory_space<vmem_shared>> -> memref<128x32xf32, #tpu.memory_space<vmem_shared>>
      tpu.enqueue_dma source(%dma_start3A_55 : memref<128x32xf32, #tpu.memory_space<vmem_shared>>) target(%dma_start3A_53 : memref<128x32xf32, #tpu.memory_space<hbm>>) target_semaphore(%run_scoped3A : memref<!tpu.dma_semaphore, #tpu.memory_space<semaphore_mem>>)
      %dma_wait3A = arith.constant 0 : i32
      %dma_wait3A_56 = tpu.memref_slice %arg6[%arg0, %add3A_45, %dma_wait3A] : memref<2x10240x32xf32, #tpu.memory_space<hbm>> -> memref<1x128x32xf32, #tpu.memory_space<hbm>>
      %dma_wait3A_57 = tpu.memref_squeeze %dma_wait3A_56 : memref<1x128x32xf32, #tpu.memory_space<hbm>> -> memref<128x32xf32, #tpu.memory_space<hbm>>
      %dma_wait3A_58 = arith.constant 0 : i32
      %dma_wait3A_59 = tpu.memref_slice %arg13[%add3A_45, %dma_wait3A_58] : memref<10240x32xf32, #tpu.memory_space<vmem_shared>> -> memref<128x32xf32, #tpu.memory_space<vmem_shared>>
      tpu.wait_dma2 semaphore(%run_scoped3A : memref<!tpu.dma_semaphore, #tpu.memory_space<semaphore_mem>>) src(%dma_wait3A_59 : memref<128x32xf32, #tpu.memory_space<vmem_shared>>) dst(%dma_wait3A_57 : memref<128x32xf32, #tpu.memory_space<hbm>>)
      tpu.yield
    }) : () -> ()
    %add3A_46 = arith.constant 256 : i32
    %add3A_47 = arith.addi %mul3A_25, %add3A_46 : i32
    "tpu.region"() ({
      %run_scoped3A = tpu.sem_alloc : memref<!tpu.dma_semaphore, #tpu.memory_space<semaphore_mem>>
      %dma_start3A = arith.constant 0 : i32
      %dma_start3A_52 = tpu.memref_slice %arg6[%arg0, %add3A_47, %dma_start3A] : memref<2x10240x32xf32, #tpu.memory_space<hbm>> -> memref<1x128x32xf32, #tpu.memory_space<hbm>>
      %dma_start3A_53 = tpu.memref_squeeze %dma_start3A_52 : memref<1x128x32xf32, #tpu.memory_space<hbm>> -> memref<128x32xf32, #tpu.memory_space<hbm>>
      %dma_start3A_54 = arith.constant 0 : i32
      %dma_start3A_55 = tpu.memref_slice %arg13[%add3A_47, %dma_start3A_54] : memref<10240x32xf32, #tpu.memory_space<vmem_shared>> -> memref<128x32xf32, #tpu.memory_space<vmem_shared>>
      tpu.enqueue_dma source(%dma_start3A_55 : memref<128x32xf32, #tpu.memory_space<vmem_shared>>) target(%dma_start3A_53 : memref<128x32xf32, #tpu.memory_space<hbm>>) target_semaphore(%run_scoped3A : memref<!tpu.dma_semaphore, #tpu.memory_space<semaphore_mem>>)
      %dma_wait3A = arith.constant 0 : i32
      %dma_wait3A_56 = tpu.memref_slice %arg6[%arg0, %add3A_47, %dma_wait3A] : memref<2x10240x32xf32, #tpu.memory_space<hbm>> -> memref<1x128x32xf32, #tpu.memory_space<hbm>>
      %dma_wait3A_57 = tpu.memref_squeeze %dma_wait3A_56 : memref<1x128x32xf32, #tpu.memory_space<hbm>> -> memref<128x32xf32, #tpu.memory_space<hbm>>
      %dma_wait3A_58 = arith.constant 0 : i32
      %dma_wait3A_59 = tpu.memref_slice %arg13[%add3A_47, %dma_wait3A_58] : memref<10240x32xf32, #tpu.memory_space<vmem_shared>> -> memref<128x32xf32, #tpu.memory_space<vmem_shared>>
      tpu.wait_dma2 semaphore(%run_scoped3A : memref<!tpu.dma_semaphore, #tpu.memory_space<semaphore_mem>>) src(%dma_wait3A_59 : memref<128x32xf32, #tpu.memory_space<vmem_shared>>) dst(%dma_wait3A_57 : memref<128x32xf32, #tpu.memory_space<hbm>>)
      tpu.yield
    }) : () -> ()
    %add3A_48 = arith.constant 384 : i32
    %add3A_49 = arith.addi %mul3A_25, %add3A_48 : i32
    "tpu.region"() ({
      %run_scoped3A = tpu.sem_alloc : memref<!tpu.dma_semaphore, #tpu.memory_space<semaphore_mem>>
      %dma_start3A = arith.constant 0 : i32
      %dma_start3A_52 = tpu.memref_slice %arg6[%arg0, %add3A_49, %dma_start3A] : memref<2x10240x32xf32, #tpu.memory_space<hbm>> -> memref<1x128x32xf32, #tpu.memory_space<hbm>>
      %dma_start3A_53 = tpu.memref_squeeze %dma_start3A_52 : memref<1x128x32xf32, #tpu.memory_space<hbm>> -> memref<128x32xf32, #tpu.memory_space<hbm>>
      %dma_start3A_54 = arith.constant 0 : i32
      %dma_start3A_55 = tpu.memref_slice %arg13[%add3A_49, %dma_start3A_54] : memref<10240x32xf32, #tpu.memory_space<vmem_shared>> -> memref<128x32xf32, #tpu.memory_space<vmem_shared>>
      tpu.enqueue_dma source(%dma_start3A_55 : memref<128x32xf32, #tpu.memory_space<vmem_shared>>) target(%dma_start3A_53 : memref<128x32xf32, #tpu.memory_space<hbm>>) target_semaphore(%run_scoped3A : memref<!tpu.dma_semaphore, #tpu.memory_space<semaphore_mem>>)
      %dma_wait3A = arith.constant 0 : i32
      %dma_wait3A_56 = tpu.memref_slice %arg6[%arg0, %add3A_49, %dma_wait3A] : memref<2x10240x32xf32, #tpu.memory_space<hbm>> -> memref<1x128x32xf32, #tpu.memory_space<hbm>>
      %dma_wait3A_57 = tpu.memref_squeeze %dma_wait3A_56 : memref<1x128x32xf32, #tpu.memory_space<hbm>> -> memref<128x32xf32, #tpu.memory_space<hbm>>
      %dma_wait3A_58 = arith.constant 0 : i32
      %dma_wait3A_59 = tpu.memref_slice %arg13[%add3A_49, %dma_wait3A_58] : memref<10240x32xf32, #tpu.memory_space<vmem_shared>> -> memref<128x32xf32, #tpu.memory_space<vmem_shared>>
      tpu.wait_dma2 semaphore(%run_scoped3A : memref<!tpu.dma_semaphore, #tpu.memory_space<semaphore_mem>>) src(%dma_wait3A_59 : memref<128x32xf32, #tpu.memory_space<vmem_shared>>) dst(%dma_wait3A_57 : memref<128x32xf32, #tpu.memory_space<hbm>>)
      tpu.yield
    }) : () -> ()
    %add3A_50 = arith.constant 512 : i32
    %add3A_51 = arith.addi %mul3A_25, %add3A_50 : i32
    "tpu.region"() ({
      %run_scoped3A = tpu.sem_alloc : memref<!tpu.dma_semaphore, #tpu.memory_space<semaphore_mem>>
      %dma_start3A = arith.constant 0 : i32
      %dma_start3A_52 = tpu.memref_slice %arg6[%arg0, %add3A_51, %dma_start3A] : memref<2x10240x32xf32, #tpu.memory_space<hbm>> -> memref<1x128x32xf32, #tpu.memory_space<hbm>>
      %dma_start3A_53 = tpu.memref_squeeze %dma_start3A_52 : memref<1x128x32xf32, #tpu.memory_space<hbm>> -> memref<128x32xf32, #tpu.memory_space<hbm>>
      %dma_start3A_54 = arith.constant 0 : i32
      %dma_start3A_55 = tpu.memref_slice %arg13[%add3A_51, %dma_start3A_54] : memref<10240x32xf32, #tpu.memory_space<vmem_shared>> -> memref<128x32xf32, #tpu.memory_space<vmem_shared>>
      tpu.enqueue_dma source(%dma_start3A_55 : memref<128x32xf32, #tpu.memory_space<vmem_shared>>) target(%dma_start3A_53 : memref<128x32xf32, #tpu.memory_space<hbm>>) target_semaphore(%run_scoped3A : memref<!tpu.dma_semaphore, #tpu.memory_space<semaphore_mem>>)
      %dma_wait3A = arith.constant 0 : i32
      %dma_wait3A_56 = tpu.memref_slice %arg6[%arg0, %add3A_51, %dma_wait3A] : memref<2x10240x32xf32, #tpu.memory_space<hbm>> -> memref<1x128x32xf32, #tpu.memory_space<hbm>>
      %dma_wait3A_57 = tpu.memref_squeeze %dma_wait3A_56 : memref<1x128x32xf32, #tpu.memory_space<hbm>> -> memref<128x32xf32, #tpu.memory_space<hbm>>
      %dma_wait3A_58 = arith.constant 0 : i32
      %dma_wait3A_59 = tpu.memref_slice %arg13[%add3A_51, %dma_wait3A_58] : memref<10240x32xf32, #tpu.memory_space<vmem_shared>> -> memref<128x32xf32, #tpu.memory_space<vmem_shared>>
      tpu.wait_dma2 semaphore(%run_scoped3A : memref<!tpu.dma_semaphore, #tpu.memory_space<semaphore_mem>>) src(%dma_wait3A_59 : memref<128x32xf32, #tpu.memory_space<vmem_shared>>) dst(%dma_wait3A_57 : memref<128x32xf32, #tpu.memory_space<hbm>>)
      tpu.yield
    }) : () -> ()
    return
  }
}

#map = affine_map<(d0, d1) -> (0, 0, 0)>
#map1 = affine_map<(d0, d1) -> (0, 0)>
module attributes {stable_mosaic.version = 14 : i64} {
  func.func @_sc_layer1(%arg0: i32, %arg1: i32, %arg2: memref<32x81x128xi32, #tpu.memory_space<hbm>>, %arg3: memref<32x81x128xi32, #tpu.memory_space<hbm>>, %arg4: memref<10240x64xf32, #tpu.memory_space<hbm>>, %arg5: memref<10240x16xf32, #tpu.memory_space<hbm>>, %arg6: memref<2x10240x80xf32, #tpu.memory_space<hbm>>, %arg7: memref<81x128xi32, #tpu.memory_space<vmem>>, %arg8: memref<81x128xi32, #tpu.memory_space<vmem>>, %arg9: memref<128x16xf32, #tpu.memory_space<vmem>>, %arg10: memref<128x16xf32, #tpu.memory_space<vmem>>, %arg11: memref<128x64xf32, #tpu.memory_space<vmem>>, %arg12: memref<128x80xf32, #tpu.memory_space<vmem>>, %arg13: memref<10240x80xf32, #tpu.memory_space<vmem_shared>>, %arg14: memref<!tpu.dma_semaphore, #tpu.memory_space<semaphore_mem>>, %arg15: memref<!tpu.dma_semaphore, #tpu.memory_space<semaphore_mem>>, %arg16: memref<!tpu.dma_semaphore, #tpu.memory_space<semaphore_mem>>) attributes {dimension_semantics = [#tpu.dimension_semantics<core_parallel>, #tpu.dimension_semantics<subcore_parallel>], iteration_bounds = array<i64: 2, 16>, scalar_prefetch = 0 : i64, scratch_operands = 10 : i64, tpu.core_type = #tpu.core_type<sc_vector_subcore>, window_params = [{transform_indices = #map}, {transform_indices = #map}, {transform_indices = #map1}, {transform_indices = #map1}, {transform_indices = #map}]} {
    %mul3A = arith.constant 16 : i32
    %mul3A_0 = arith.muli %arg0, %mul3A : i32
    %add3A = arith.addi %mul3A_0, %arg1 : i32
    %iota3A = tpu.iota {dimensions = array<i32: 0>} : vector<16xi32>
    %add3A_1 = arith.constant 8 : i32
    %add3A_2 = vector.broadcast %add3A_1 : i32 to vector<16xi32>
    %add3A_3 = arith.addi %iota3A, %add3A_2 : vector<16xi32>
    %jit3A = arith.constant 16 : i32
    %eq3A = arith.constant 0 : i32
    %eq3A_4 = arith.cmpi eq, %jit3A, %eq3A : i32
    %jit3A_5 = arith.constant 1 : i32
    %select_n3A = arith.select %eq3A_4, %jit3A_5, %jit3A : i32
    %rem3A = vector.broadcast %select_n3A : i32 to vector<16xi32>
    %rem3A_6 = arith.remsi %add3A_3, %rem3A : vector<16xi32>
    %ne3A = arith.constant 0 : i32
    %ne3A_7 = vector.broadcast %ne3A : i32 to vector<16xi32>
    %ne3A_8 = arith.cmpi ne, %rem3A_6, %ne3A_7 : vector<16xi32>
    %lt3A = arith.constant 0 : i32
    %lt3A_9 = vector.broadcast %lt3A : i32 to vector<16xi32>
    %lt3A_10 = arith.cmpi slt, %rem3A_6, %lt3A_9 : vector<16xi32>
    %lt3A_11 = arith.constant 0 : i32
    %lt3A_12 = arith.cmpi slt, %select_n3A, %lt3A_11 : i32
    %ne3A_13 = vector.broadcast %lt3A_12 : i1 to vector<16xi1>
    %ne3A_14 = vector.broadcast %ne3A_13 : vector<16xi1> to vector<16xi1>
    %ne3A_15 = arith.xori %lt3A_10, %ne3A_14 : vector<16xi1>
    %and3A = arith.andi %ne3A_15, %ne3A_8 : vector<16xi1>
    %add3A_16 = vector.broadcast %select_n3A : i32 to vector<16xi32>
    %add3A_17 = arith.addi %rem3A_6, %add3A_16 : vector<16xi32>
    %select_n3A_18 = arith.select %and3A, %add3A_17, %rem3A_6 : vector<16xi1>, vector<16xi32>
    "tpu.region"() ({
      %run_scoped3A = tpu.sem_alloc : memref<!tpu.dma_semaphore, #tpu.memory_space<semaphore_mem>>
      %dma_start3A = arith.constant 0 : i32
      %dma_start3A_49 = arith.constant 0 : i32
      %dma_start3A_50 = tpu.memref_slice %arg2[%add3A, %dma_start3A, %dma_start3A_49] : memref<32x81x128xi32, #tpu.memory_space<hbm>> -> memref<1x81x128xi32, #tpu.memory_space<hbm>>
      %dma_start3A_51 = tpu.memref_squeeze %dma_start3A_50 : memref<1x81x128xi32, #tpu.memory_space<hbm>> -> memref<81x128xi32, #tpu.memory_space<hbm>>
      %dma_start3A_52 = arith.constant 0 : i32
      %dma_start3A_53 = arith.constant 0 : i32
      %dma_start3A_54 = tpu.memref_slice %arg2[%add3A, %dma_start3A_52, %dma_start3A_53] : memref<32x81x128xi32, #tpu.memory_space<hbm>> -> memref<1x81x128xi32, #tpu.memory_space<hbm>>
      %dma_start3A_55 = tpu.memref_squeeze %dma_start3A_54 : memref<1x81x128xi32, #tpu.memory_space<hbm>> -> memref<81x128xi32, #tpu.memory_space<hbm>>
      tpu.enqueue_dma source(%dma_start3A_55 : memref<81x128xi32, #tpu.memory_space<hbm>>) target(%arg7 : memref<81x128xi32, #tpu.memory_space<vmem>>) target_semaphore(%run_scoped3A : memref<!tpu.dma_semaphore, #tpu.memory_space<semaphore_mem>>)
      %dma_wait3A = arith.constant 0 : i32
      %dma_wait3A_56 = arith.constant 0 : i32
      %dma_wait3A_57 = tpu.memref_slice %arg2[%add3A, %dma_wait3A, %dma_wait3A_56] : memref<32x81x128xi32, #tpu.memory_space<hbm>> -> memref<1x81x128xi32, #tpu.memory_space<hbm>>
      %dma_wait3A_58 = tpu.memref_squeeze %dma_wait3A_57 : memref<1x81x128xi32, #tpu.memory_space<hbm>> -> memref<81x128xi32, #tpu.memory_space<hbm>>
      %dma_wait3A_59 = arith.constant 0 : i32
      %dma_wait3A_60 = arith.constant 0 : i32
      %dma_wait3A_61 = tpu.memref_slice %arg2[%add3A, %dma_wait3A_59, %dma_wait3A_60] : memref<32x81x128xi32, #tpu.memory_space<hbm>> -> memref<1x81x128xi32, #tpu.memory_space<hbm>>
      %dma_wait3A_62 = tpu.memref_squeeze %dma_wait3A_61 : memref<1x81x128xi32, #tpu.memory_space<hbm>> -> memref<81x128xi32, #tpu.memory_space<hbm>>
      tpu.wait_dma2 semaphore(%run_scoped3A : memref<!tpu.dma_semaphore, #tpu.memory_space<semaphore_mem>>) src(%dma_wait3A_62 : memref<81x128xi32, #tpu.memory_space<hbm>>) dst(%arg7 : memref<81x128xi32, #tpu.memory_space<vmem>>)
      tpu.yield
    }) : () -> ()
    "tpu.region"() ({
      %run_scoped3A = tpu.sem_alloc : memref<!tpu.dma_semaphore, #tpu.memory_space<semaphore_mem>>
      %dma_start3A = arith.constant 0 : i32
      %dma_start3A_49 = arith.constant 0 : i32
      %dma_start3A_50 = tpu.memref_slice %arg3[%add3A, %dma_start3A, %dma_start3A_49] : memref<32x81x128xi32, #tpu.memory_space<hbm>> -> memref<1x81x128xi32, #tpu.memory_space<hbm>>
      %dma_start3A_51 = tpu.memref_squeeze %dma_start3A_50 : memref<1x81x128xi32, #tpu.memory_space<hbm>> -> memref<81x128xi32, #tpu.memory_space<hbm>>
      %dma_start3A_52 = arith.constant 0 : i32
      %dma_start3A_53 = arith.constant 0 : i32
      %dma_start3A_54 = tpu.memref_slice %arg3[%add3A, %dma_start3A_52, %dma_start3A_53] : memref<32x81x128xi32, #tpu.memory_space<hbm>> -> memref<1x81x128xi32, #tpu.memory_space<hbm>>
      %dma_start3A_55 = tpu.memref_squeeze %dma_start3A_54 : memref<1x81x128xi32, #tpu.memory_space<hbm>> -> memref<81x128xi32, #tpu.memory_space<hbm>>
      tpu.enqueue_dma source(%dma_start3A_55 : memref<81x128xi32, #tpu.memory_space<hbm>>) target(%arg8 : memref<81x128xi32, #tpu.memory_space<vmem>>) target_semaphore(%run_scoped3A : memref<!tpu.dma_semaphore, #tpu.memory_space<semaphore_mem>>)
      %dma_wait3A = arith.constant 0 : i32
      %dma_wait3A_56 = arith.constant 0 : i32
      %dma_wait3A_57 = tpu.memref_slice %arg3[%add3A, %dma_wait3A, %dma_wait3A_56] : memref<32x81x128xi32, #tpu.memory_space<hbm>> -> memref<1x81x128xi32, #tpu.memory_space<hbm>>
      %dma_wait3A_58 = tpu.memref_squeeze %dma_wait3A_57 : memref<1x81x128xi32, #tpu.memory_space<hbm>> -> memref<81x128xi32, #tpu.memory_space<hbm>>
      %dma_wait3A_59 = arith.constant 0 : i32
      %dma_wait3A_60 = arith.constant 0 : i32
      %dma_wait3A_61 = tpu.memref_slice %arg3[%add3A, %dma_wait3A_59, %dma_wait3A_60] : memref<32x81x128xi32, #tpu.memory_space<hbm>> -> memref<1x81x128xi32, #tpu.memory_space<hbm>>
      %dma_wait3A_62 = tpu.memref_squeeze %dma_wait3A_61 : memref<1x81x128xi32, #tpu.memory_space<hbm>> -> memref<81x128xi32, #tpu.memory_space<hbm>>
      tpu.wait_dma2 semaphore(%run_scoped3A : memref<!tpu.dma_semaphore, #tpu.memory_space<semaphore_mem>>) src(%dma_wait3A_62 : memref<81x128xi32, #tpu.memory_space<hbm>>) dst(%arg8 : memref<81x128xi32, #tpu.memory_space<vmem>>)
      tpu.yield
    }) : () -> ()
    %parallel_loop3A = arith.constant 0 : i32
    %parallel_loop3A_19 = arith.constant 128 : i32
    %parallel_loop3A_20 = arith.constant 1 : i32
    scf.for %parallel_loop3A_49 = %parallel_loop3A to %parallel_loop3A_19 step %parallel_loop3A_20  : i32 {
      %parallel_loop3A_50 = arith.constant 0.000000e+00 : f32
      %parallel_loop3A_51 = vector.broadcast %parallel_loop3A_50 : f32 to vector<16xf32>
      %parallel_loop3A_52 = arith.index_cast %parallel_loop3A_49 : i32 to index
      %parallel_loop3A_53 = arith.constant 0 : index
      %parallel_loop3A_54 = tpu.vector_load %arg12[%parallel_loop3A_52, %parallel_loop3A_53] {strides = array<i32>} : memref<128x80xf32, #tpu.memory_space<vmem>>, vector<1x16xf32>,
      %parallel_loop3A_55 = vector.shape_cast %parallel_loop3A_54 : vector<1x16xf32> to vector<16xf32>
      %parallel_loop3A_56 = vector.shape_cast %parallel_loop3A_51 : vector<16xf32> to vector<1x16xf32>
      tpu.vector_store %arg12[%parallel_loop3A_52, %parallel_loop3A_53], %parallel_loop3A_56 {strides = array<i32>} : memref<128x80xf32, #tpu.memory_space<vmem>>, vector<1x16xf32>,
      %parallel_loop3A_57 = arith.constant 0.000000e+00 : f32
      %parallel_loop3A_58 = vector.broadcast %parallel_loop3A_57 : f32 to vector<16xf32>
      %parallel_loop3A_59 = arith.index_cast %parallel_loop3A_49 : i32 to index
      %parallel_loop3A_60 = arith.constant 16 : index
      %parallel_loop3A_61 = tpu.vector_load %arg12[%parallel_loop3A_59, %parallel_loop3A_60] {strides = array<i32>} : memref<128x80xf32, #tpu.memory_space<vmem>>, vector<1x16xf32>,
      %parallel_loop3A_62 = vector.shape_cast %parallel_loop3A_61 : vector<1x16xf32> to vector<16xf32>
      %parallel_loop3A_63 = vector.shape_cast %parallel_loop3A_58 : vector<16xf32> to vector<1x16xf32>
      tpu.vector_store %arg12[%parallel_loop3A_59, %parallel_loop3A_60], %parallel_loop3A_63 {strides = array<i32>} : memref<128x80xf32, #tpu.memory_space<vmem>>, vector<1x16xf32>,
      %parallel_loop3A_64 = arith.constant 0.000000e+00 : f32
      %parallel_loop3A_65 = vector.broadcast %parallel_loop3A_64 : f32 to vector<16xf32>
      %parallel_loop3A_66 = arith.index_cast %parallel_loop3A_49 : i32 to index
      %parallel_loop3A_67 = arith.constant 32 : index
      %parallel_loop3A_68 = tpu.vector_load %arg12[%parallel_loop3A_66, %parallel_loop3A_67] {strides = array<i32>} : memref<128x80xf32, #tpu.memory_space<vmem>>, vector<1x16xf32>,
      %parallel_loop3A_69 = vector.shape_cast %parallel_loop3A_68 : vector<1x16xf32> to vector<16xf32>
      %parallel_loop3A_70 = vector.shape_cast %parallel_loop3A_65 : vector<16xf32> to vector<1x16xf32>
      tpu.vector_store %arg12[%parallel_loop3A_66, %parallel_loop3A_67], %parallel_loop3A_70 {strides = array<i32>} : memref<128x80xf32, #tpu.memory_space<vmem>>, vector<1x16xf32>,
      %parallel_loop3A_71 = arith.constant 0.000000e+00 : f32
      %parallel_loop3A_72 = vector.broadcast %parallel_loop3A_71 : f32 to vector<16xf32>
      %parallel_loop3A_73 = arith.index_cast %parallel_loop3A_49 : i32 to index
      %parallel_loop3A_74 = arith.constant 48 : index
      %parallel_loop3A_75 = tpu.vector_load %arg12[%parallel_loop3A_73, %parallel_loop3A_74] {strides = array<i32>} : memref<128x80xf32, #tpu.memory_space<vmem>>, vector<1x16xf32>,
      %parallel_loop3A_76 = vector.shape_cast %parallel_loop3A_75 : vector<1x16xf32> to vector<16xf32>
      %parallel_loop3A_77 = vector.shape_cast %parallel_loop3A_72 : vector<16xf32> to vector<1x16xf32>
      tpu.vector_store %arg12[%parallel_loop3A_73, %parallel_loop3A_74], %parallel_loop3A_77 {strides = array<i32>} : memref<128x80xf32, #tpu.memory_space<vmem>>, vector<1x16xf32>,
      %parallel_loop3A_78 = arith.constant 0.000000e+00 : f32
      %parallel_loop3A_79 = vector.broadcast %parallel_loop3A_78 : f32 to vector<16xf32>
      %parallel_loop3A_80 = arith.index_cast %parallel_loop3A_49 : i32 to index
      %parallel_loop3A_81 = arith.constant 64 : index
      %parallel_loop3A_82 = tpu.vector_load %arg12[%parallel_loop3A_80, %parallel_loop3A_81] {strides = array<i32>} : memref<128x80xf32, #tpu.memory_space<vmem>>, vector<1x16xf32>,
      %parallel_loop3A_83 = vector.shape_cast %parallel_loop3A_82 : vector<1x16xf32> to vector<16xf32>
      %parallel_loop3A_84 = vector.shape_cast %parallel_loop3A_79 : vector<16xf32> to vector<1x16xf32>
      tpu.vector_store %arg12[%parallel_loop3A_80, %parallel_loop3A_81], %parallel_loop3A_84 {strides = array<i32>} : memref<128x80xf32, #tpu.memory_space<vmem>>, vector<1x16xf32>,
    } {sc.loop_unroll_factor = 4 : i64, sc.parallel_access}
    %mul3A_21 = arith.constant 640 : i32
    %mul3A_22 = arith.muli %arg1, %mul3A_21 : i32
    %add3A_23 = arith.constant 0 : i32
    %add3A_24 = arith.addi %mul3A_22, %add3A_23 : i32
    "tpu.region"() ({
      %run_scoped3A = tpu.sem_alloc : memref<!tpu.dma_semaphore, #tpu.memory_space<semaphore_mem>>
      %dma_start3A = arith.constant 0 : i32
      %dma_start3A_49 = tpu.memref_slice %arg13[%add3A_24, %dma_start3A] : memref<10240x80xf32, #tpu.memory_space<vmem_shared>> -> memref<128x80xf32, #tpu.memory_space<vmem_shared>>
      %dma_start3A_50 = arith.constant 0 : i32
      %dma_start3A_51 = tpu.memref_slice %arg13[%add3A_24, %dma_start3A_50] : memref<10240x80xf32, #tpu.memory_space<vmem_shared>> -> memref<128x80xf32, #tpu.memory_space<vmem_shared>>
      tpu.enqueue_dma source(%arg12 : memref<128x80xf32, #tpu.memory_space<vmem>>) target(%dma_start3A_51 : memref<128x80xf32, #tpu.memory_space<vmem_shared>>) target_semaphore(%run_scoped3A : memref<!tpu.dma_semaphore, #tpu.memory_space<semaphore_mem>>)
      %dma_wait3A = arith.constant 0 : i32
      %dma_wait3A_52 = tpu.memref_slice %arg13[%add3A_24, %dma_wait3A] : memref<10240x80xf32, #tpu.memory_space<vmem_shared>> -> memref<128x80xf32, #tpu.memory_space<vmem_shared>>
      %dma_wait3A_53 = arith.constant 0 : i32
      %dma_wait3A_54 = tpu.memref_slice %arg13[%add3A_24, %dma_wait3A_53] : memref<10240x80xf32, #tpu.memory_space<vmem_shared>> -> memref<128x80xf32, #tpu.memory_space<vmem_shared>>
      tpu.wait_dma2 semaphore(%run_scoped3A : memref<!tpu.dma_semaphore, #tpu.memory_space<semaphore_mem>>) src(%arg12 : memref<128x80xf32, #tpu.memory_space<vmem>>) dst(%dma_wait3A_54 : memref<128x80xf32, #tpu.memory_space<vmem_shared>>)
      tpu.yield
    }) : () -> ()
    %add3A_25 = arith.constant 128 : i32
    %add3A_26 = arith.addi %mul3A_22, %add3A_25 : i32
    "tpu.region"() ({
      %run_scoped3A = tpu.sem_alloc : memref<!tpu.dma_semaphore, #tpu.memory_space<semaphore_mem>>
      %dma_start3A = arith.constant 0 : i32
      %dma_start3A_49 = tpu.memref_slice %arg13[%add3A_26, %dma_start3A] : memref<10240x80xf32, #tpu.memory_space<vmem_shared>> -> memref<128x80xf32, #tpu.memory_space<vmem_shared>>
      %dma_start3A_50 = arith.constant 0 : i32
      %dma_start3A_51 = tpu.memref_slice %arg13[%add3A_26, %dma_start3A_50] : memref<10240x80xf32, #tpu.memory_space<vmem_shared>> -> memref<128x80xf32, #tpu.memory_space<vmem_shared>>
      tpu.enqueue_dma source(%arg12 : memref<128x80xf32, #tpu.memory_space<vmem>>) target(%dma_start3A_51 : memref<128x80xf32, #tpu.memory_space<vmem_shared>>) target_semaphore(%run_scoped3A : memref<!tpu.dma_semaphore, #tpu.memory_space<semaphore_mem>>)
      %dma_wait3A = arith.constant 0 : i32
      %dma_wait3A_52 = tpu.memref_slice %arg13[%add3A_26, %dma_wait3A] : memref<10240x80xf32, #tpu.memory_space<vmem_shared>> -> memref<128x80xf32, #tpu.memory_space<vmem_shared>>
      %dma_wait3A_53 = arith.constant 0 : i32
      %dma_wait3A_54 = tpu.memref_slice %arg13[%add3A_26, %dma_wait3A_53] : memref<10240x80xf32, #tpu.memory_space<vmem_shared>> -> memref<128x80xf32, #tpu.memory_space<vmem_shared>>
      tpu.wait_dma2 semaphore(%run_scoped3A : memref<!tpu.dma_semaphore, #tpu.memory_space<semaphore_mem>>) src(%arg12 : memref<128x80xf32, #tpu.memory_space<vmem>>) dst(%dma_wait3A_54 : memref<128x80xf32, #tpu.memory_space<vmem_shared>>)
      tpu.yield
    }) : () -> ()
    %add3A_27 = arith.constant 256 : i32
    %add3A_28 = arith.addi %mul3A_22, %add3A_27 : i32
    "tpu.region"() ({
      %run_scoped3A = tpu.sem_alloc : memref<!tpu.dma_semaphore, #tpu.memory_space<semaphore_mem>>
      %dma_start3A = arith.constant 0 : i32
      %dma_start3A_49 = tpu.memref_slice %arg13[%add3A_28, %dma_start3A] : memref<10240x80xf32, #tpu.memory_space<vmem_shared>> -> memref<128x80xf32, #tpu.memory_space<vmem_shared>>
      %dma_start3A_50 = arith.constant 0 : i32
      %dma_start3A_51 = tpu.memref_slice %arg13[%add3A_28, %dma_start3A_50] : memref<10240x80xf32, #tpu.memory_space<vmem_shared>> -> memref<128x80xf32, #tpu.memory_space<vmem_shared>>
      tpu.enqueue_dma source(%arg12 : memref<128x80xf32, #tpu.memory_space<vmem>>) target(%dma_start3A_51 : memref<128x80xf32, #tpu.memory_space<vmem_shared>>) target_semaphore(%run_scoped3A : memref<!tpu.dma_semaphore, #tpu.memory_space<semaphore_mem>>)
      %dma_wait3A = arith.constant 0 : i32
      %dma_wait3A_52 = tpu.memref_slice %arg13[%add3A_28, %dma_wait3A] : memref<10240x80xf32, #tpu.memory_space<vmem_shared>> -> memref<128x80xf32, #tpu.memory_space<vmem_shared>>
      %dma_wait3A_53 = arith.constant 0 : i32
      %dma_wait3A_54 = tpu.memref_slice %arg13[%add3A_28, %dma_wait3A_53] : memref<10240x80xf32, #tpu.memory_space<vmem_shared>> -> memref<128x80xf32, #tpu.memory_space<vmem_shared>>
      tpu.wait_dma2 semaphore(%run_scoped3A : memref<!tpu.dma_semaphore, #tpu.memory_space<semaphore_mem>>) src(%arg12 : memref<128x80xf32, #tpu.memory_space<vmem>>) dst(%dma_wait3A_54 : memref<128x80xf32, #tpu.memory_space<vmem_shared>>)
      tpu.yield
    }) : () -> ()
    %add3A_29 = arith.constant 384 : i32
    %add3A_30 = arith.addi %mul3A_22, %add3A_29 : i32
    "tpu.region"() ({
      %run_scoped3A = tpu.sem_alloc : memref<!tpu.dma_semaphore, #tpu.memory_space<semaphore_mem>>
      %dma_start3A = arith.constant 0 : i32
      %dma_start3A_49 = tpu.memref_slice %arg13[%add3A_30, %dma_start3A] : memref<10240x80xf32, #tpu.memory_space<vmem_shared>> -> memref<128x80xf32, #tpu.memory_space<vmem_shared>>
      %dma_start3A_50 = arith.constant 0 : i32
      %dma_start3A_51 = tpu.memref_slice %arg13[%add3A_30, %dma_start3A_50] : memref<10240x80xf32, #tpu.memory_space<vmem_shared>> -> memref<128x80xf32, #tpu.memory_space<vmem_shared>>
      tpu.enqueue_dma source(%arg12 : memref<128x80xf32, #tpu.memory_space<vmem>>) target(%dma_start3A_51 : memref<128x80xf32, #tpu.memory_space<vmem_shared>>) target_semaphore(%run_scoped3A : memref<!tpu.dma_semaphore, #tpu.memory_space<semaphore_mem>>)
      %dma_wait3A = arith.constant 0 : i32
      %dma_wait3A_52 = tpu.memref_slice %arg13[%add3A_30, %dma_wait3A] : memref<10240x80xf32, #tpu.memory_space<vmem_shared>> -> memref<128x80xf32, #tpu.memory_space<vmem_shared>>
      %dma_wait3A_53 = arith.constant 0 : i32
      %dma_wait3A_54 = tpu.memref_slice %arg13[%add3A_30, %dma_wait3A_53] : memref<10240x80xf32, #tpu.memory_space<vmem_shared>> -> memref<128x80xf32, #tpu.memory_space<vmem_shared>>
      tpu.wait_dma2 semaphore(%run_scoped3A : memref<!tpu.dma_semaphore, #tpu.memory_space<semaphore_mem>>) src(%arg12 : memref<128x80xf32, #tpu.memory_space<vmem>>) dst(%dma_wait3A_54 : memref<128x80xf32, #tpu.memory_space<vmem_shared>>)
      tpu.yield
    }) : () -> ()
    %add3A_31 = arith.constant 512 : i32
    %add3A_32 = arith.addi %mul3A_22, %add3A_31 : i32
    "tpu.region"() ({
      %run_scoped3A = tpu.sem_alloc : memref<!tpu.dma_semaphore, #tpu.memory_space<semaphore_mem>>
      %dma_start3A = arith.constant 0 : i32
      %dma_start3A_49 = tpu.memref_slice %arg13[%add3A_32, %dma_start3A] : memref<10240x80xf32, #tpu.memory_space<vmem_shared>> -> memref<128x80xf32, #tpu.memory_space<vmem_shared>>
      %dma_start3A_50 = arith.constant 0 : i32
      %dma_start3A_51 = tpu.memref_slice %arg13[%add3A_32, %dma_start3A_50] : memref<10240x80xf32, #tpu.memory_space<vmem_shared>> -> memref<128x80xf32, #tpu.memory_space<vmem_shared>>
      tpu.enqueue_dma source(%arg12 : memref<128x80xf32, #tpu.memory_space<vmem>>) target(%dma_start3A_51 : memref<128x80xf32, #tpu.memory_space<vmem_shared>>) target_semaphore(%run_scoped3A : memref<!tpu.dma_semaphore, #tpu.memory_space<semaphore_mem>>)
      %dma_wait3A = arith.constant 0 : i32
      %dma_wait3A_52 = tpu.memref_slice %arg13[%add3A_32, %dma_wait3A] : memref<10240x80xf32, #tpu.memory_space<vmem_shared>> -> memref<128x80xf32, #tpu.memory_space<vmem_shared>>
      %dma_wait3A_53 = arith.constant 0 : i32
      %dma_wait3A_54 = tpu.memref_slice %arg13[%add3A_32, %dma_wait3A_53] : memref<10240x80xf32, #tpu.memory_space<vmem_shared>> -> memref<128x80xf32, #tpu.memory_space<vmem_shared>>
      tpu.wait_dma2 semaphore(%run_scoped3A : memref<!tpu.dma_semaphore, #tpu.memory_space<semaphore_mem>>) src(%arg12 : memref<128x80xf32, #tpu.memory_space<vmem>>) dst(%dma_wait3A_54 : memref<128x80xf32, #tpu.memory_space<vmem_shared>>)
      tpu.yield
    }) : () -> ()
    %barrier3A = arith.constant 0 : index
    tpu.barrier barrier_id(%barrier3A)
    %scan3A = arith.constant 0 : i32
    %scan3A_33 = arith.constant 0 : i32
    %scan3A_34 = arith.constant 81 : i32
    %scan3A_35 = arith.addi %scan3A_33, %scan3A_34 : i32
    %scan3A_36 = arith.constant 1 : i32
    scf.for %scan3A_49 = %scan3A_33 to %scan3A_35 step %scan3A_36  : i32 {
      %dma_start3A = arith.constant 0 : i32
      %dma_start3A_50 = tpu.memref_slice %arg7[%scan3A_49, %dma_start3A] : memref<81x128xi32, #tpu.memory_space<vmem>> -> memref<1x128xi32, #tpu.memory_space<vmem>>
      %dma_start3A_51 = tpu.memref_squeeze %dma_start3A_50 : memref<1x128xi32, #tpu.memory_space<vmem>> -> memref<128xi32, #tpu.memory_space<vmem>>
      %dma_start3A_52 = arith.constant 0 : i32
      %dma_start3A_53 = arith.constant 0 : i32
      %dma_start3A_54 = tpu.memref_slice %arg4[%dma_start3A_52, %dma_start3A_53] : memref<10240x64xf32, #tpu.memory_space<hbm>> -> memref<10240x64xf32, #tpu.memory_space<hbm>>
      tpu.enqueue_indirect_dma source(%dma_start3A_54 : memref<10240x64xf32, #tpu.memory_space<hbm>>) target(%arg11 : memref<128x64xf32, #tpu.memory_space<vmem>>) offsets(%dma_start3A_51 : memref<128xi32, #tpu.memory_space<vmem>>) semaphore(%arg14 : memref<!tpu.dma_semaphore, #tpu.memory_space<semaphore_mem>>)
      %dma_start3A_55 = arith.constant 0 : i32
      %dma_start3A_56 = tpu.memref_slice %arg7[%scan3A_49, %dma_start3A_55] : memref<81x128xi32, #tpu.memory_space<vmem>> -> memref<1x128xi32, #tpu.memory_space<vmem>>
      %dma_start3A_57 = tpu.memref_squeeze %dma_start3A_56 : memref<1x128xi32, #tpu.memory_space<vmem>> -> memref<128xi32, #tpu.memory_space<vmem>>
      %dma_start3A_58 = arith.constant 0 : i32
      %dma_start3A_59 = arith.constant 0 : i32
      %dma_start3A_60 = tpu.memref_slice %arg5[%dma_start3A_58, %dma_start3A_59] : memref<10240x16xf32, #tpu.memory_space<hbm>> -> memref<10240x16xf32, #tpu.memory_space<hbm>>
      tpu.enqueue_indirect_dma source(%dma_start3A_60 : memref<10240x16xf32, #tpu.memory_space<hbm>>) target(%arg9 : memref<128x16xf32, #tpu.memory_space<vmem>>) offsets(%dma_start3A_57 : memref<128xi32, #tpu.memory_space<vmem>>) semaphore(%arg15 : memref<!tpu.dma_semaphore, #tpu.memory_space<semaphore_mem>>)
      %dma_start3A_61 = arith.constant 0 : i32
      %dma_start3A_62 = tpu.memref_slice %arg8[%scan3A_49, %dma_start3A_61] : memref<81x128xi32, #tpu.memory_space<vmem>> -> memref<1x128xi32, #tpu.memory_space<vmem>>
      %dma_start3A_63 = tpu.memref_squeeze %dma_start3A_62 : memref<1x128xi32, #tpu.memory_space<vmem>> -> memref<128xi32, #tpu.memory_space<vmem>>
      %dma_start3A_64 = arith.constant 0 : i32
      %dma_start3A_65 = arith.constant 0 : i32
      %dma_start3A_66 = tpu.memref_slice %arg5[%dma_start3A_64, %dma_start3A_65] : memref<10240x16xf32, #tpu.memory_space<hbm>> -> memref<10240x16xf32, #tpu.memory_space<hbm>>
      tpu.enqueue_indirect_dma source(%dma_start3A_66 : memref<10240x16xf32, #tpu.memory_space<hbm>>) target(%arg10 : memref<128x16xf32, #tpu.memory_space<vmem>>) offsets(%dma_start3A_63 : memref<128xi32, #tpu.memory_space<vmem>>) semaphore(%arg16 : memref<!tpu.dma_semaphore, #tpu.memory_space<semaphore_mem>>)
      %dma_wait3A = arith.constant 0 : i32
      %dma_wait3A_67 = tpu.memref_slice %arg7[%scan3A_49, %dma_wait3A] : memref<81x128xi32, #tpu.memory_space<vmem>> -> memref<1x128xi32, #tpu.memory_space<vmem>>
      %dma_wait3A_68 = tpu.memref_squeeze %dma_wait3A_67 : memref<1x128xi32, #tpu.memory_space<vmem>> -> memref<128xi32, #tpu.memory_space<vmem>>
      %dma_wait3A_69 = arith.constant 0 : i32
      %dma_wait3A_70 = arith.constant 0 : i32
      %dma_wait3A_71 = tpu.memref_slice %arg4[%dma_wait3A_69, %dma_wait3A_70] : memref<10240x64xf32, #tpu.memory_space<hbm>> -> memref<10240x64xf32, #tpu.memory_space<hbm>>
      tpu.wait_indirect_dma semaphore(%arg14 : memref<!tpu.dma_semaphore, #tpu.memory_space<semaphore_mem>>) src(%dma_wait3A_71 : memref<10240x64xf32, #tpu.memory_space<hbm>>) dst(%arg11 : memref<128x64xf32, #tpu.memory_space<vmem>>)
      %dma_wait3A_72 = arith.constant 0 : i32
      %dma_wait3A_73 = tpu.memref_slice %arg7[%scan3A_49, %dma_wait3A_72] : memref<81x128xi32, #tpu.memory_space<vmem>> -> memref<1x128xi32, #tpu.memory_space<vmem>>
      %dma_wait3A_74 = tpu.memref_squeeze %dma_wait3A_73 : memref<1x128xi32, #tpu.memory_space<vmem>> -> memref<128xi32, #tpu.memory_space<vmem>>
      %dma_wait3A_75 = arith.constant 0 : i32
      %dma_wait3A_76 = arith.constant 0 : i32
      %dma_wait3A_77 = tpu.memref_slice %arg5[%dma_wait3A_75, %dma_wait3A_76] : memref<10240x16xf32, #tpu.memory_space<hbm>> -> memref<10240x16xf32, #tpu.memory_space<hbm>>
      tpu.wait_indirect_dma semaphore(%arg15 : memref<!tpu.dma_semaphore, #tpu.memory_space<semaphore_mem>>) src(%dma_wait3A_77 : memref<10240x16xf32, #tpu.memory_space<hbm>>) dst(%arg9 : memref<128x16xf32, #tpu.memory_space<vmem>>)
      %dma_wait3A_78 = arith.constant 0 : i32
      %dma_wait3A_79 = tpu.memref_slice %arg8[%scan3A_49, %dma_wait3A_78] : memref<81x128xi32, #tpu.memory_space<vmem>> -> memref<1x128xi32, #tpu.memory_space<vmem>>
      %dma_wait3A_80 = tpu.memref_squeeze %dma_wait3A_79 : memref<1x128xi32, #tpu.memory_space<vmem>> -> memref<128xi32, #tpu.memory_space<vmem>>
      %dma_wait3A_81 = arith.constant 0 : i32
      %dma_wait3A_82 = arith.constant 0 : i32
      %dma_wait3A_83 = tpu.memref_slice %arg5[%dma_wait3A_81, %dma_wait3A_82] : memref<10240x16xf32, #tpu.memory_space<hbm>> -> memref<10240x16xf32, #tpu.memory_space<hbm>>
      tpu.wait_indirect_dma semaphore(%arg16 : memref<!tpu.dma_semaphore, #tpu.memory_space<semaphore_mem>>) src(%dma_wait3A_83 : memref<10240x16xf32, #tpu.memory_space<hbm>>) dst(%arg10 : memref<128x16xf32, #tpu.memory_space<vmem>>)
      %parallel_loop3A_84 = arith.constant 0 : i32
      %parallel_loop3A_85 = arith.constant 128 : i32
      %parallel_loop3A_86 = arith.constant 1 : i32
      scf.for %parallel_loop3A_87 = %parallel_loop3A_84 to %parallel_loop3A_85 step %parallel_loop3A_86  : i32 {
        %parallel_loop3A_88 = arith.index_cast %parallel_loop3A_87 : i32 to index
        %parallel_loop3A_89 = arith.constant 0 : index
        %parallel_loop3A_90 = tpu.vector_load %arg9[%parallel_loop3A_88, %parallel_loop3A_89] {strides = array<i32>} : memref<128x16xf32, #tpu.memory_space<vmem>>, vector<1x16xf32>,
        %parallel_loop3A_91 = vector.shape_cast %parallel_loop3A_90 : vector<1x16xf32> to vector<16xf32>
        %parallel_loop3A_92 = arith.index_cast %parallel_loop3A_87 : i32 to index
        %parallel_loop3A_93 = arith.constant 0 : index
        %parallel_loop3A_94 = tpu.vector_load %arg10[%parallel_loop3A_92, %parallel_loop3A_93] {strides = array<i32>} : memref<128x16xf32, #tpu.memory_space<vmem>>, vector<1x16xf32>,
        %parallel_loop3A_95 = vector.shape_cast %parallel_loop3A_94 : vector<1x16xf32> to vector<16xf32>
        %parallel_loop3A_96 = vector.shape_cast %select_n3A_18 : vector<16xi32> to vector<16x1xi32>
        %parallel_loop3A_97 = vector.shape_cast %parallel_loop3A_96 : vector<16x1xi32> to vector<16xi32>
        %parallel_loop3A_98 = tpu.dynamic_gather %parallel_loop3A_95[%parallel_loop3A_97] in [0] : vector<16xf32>, vector<16xi32> -> vector<16xf32>
        %parallel_loop3A_99 = arith.addf %parallel_loop3A_91, %parallel_loop3A_98 : vector<16xf32>
        %parallel_loop3A_100 = arith.constant 0.000000e+00 : f32
        %parallel_loop3A_101 = vector.broadcast %parallel_loop3A_100 : f32 to vector<16xf32>
        %parallel_loop3A_102 = arith.cmpf ogt, %parallel_loop3A_99, %parallel_loop3A_101 : vector<16xf32>
        %parallel_loop3A_103 = arith.constant 2.000000e-01 : f32
        %parallel_loop3A_104 = vector.broadcast %parallel_loop3A_103 : f32 to vector<16xf32>
        %parallel_loop3A_105 = arith.mulf %parallel_loop3A_104, %parallel_loop3A_99 : vector<16xf32>
        %parallel_loop3A_106 = arith.select %parallel_loop3A_102, %parallel_loop3A_99, %parallel_loop3A_105 : vector<16xi1>, vector<16xf32>
        %parallel_loop3A_107 = math.exp %parallel_loop3A_106 : vector<16xf32>
        %parallel_loop3A_108 = arith.constant 8 : i32
        %parallel_loop3A_109 = vector.broadcast %parallel_loop3A_108 : i32 to vector<16xi32>
        %parallel_loop3A_110 = arith.cmpi slt, %iota3A, %parallel_loop3A_109 : vector<16xi32>
        %parallel_loop3A_111 = arith.constant 0.000000e+00 : f32
        %parallel_loop3A_112 = vector.broadcast %parallel_loop3A_111 : f32 to vector<16xf32>
        %parallel_loop3A_113 = arith.select %parallel_loop3A_110, %parallel_loop3A_107, %parallel_loop3A_112 : vector<16xi1>, vector<16xf32>
        %parallel_loop3A_114 = arith.index_cast %parallel_loop3A_87 : i32 to index
        %parallel_loop3A_115 = arith.constant 64 : index
        %parallel_loop3A_116 = tpu.vector_load %arg12[%parallel_loop3A_114, %parallel_loop3A_115] {strides = array<i32>} : memref<128x80xf32, #tpu.memory_space<vmem>>, vector<1x16xf32>,
        %parallel_loop3A_117 = vector.shape_cast %parallel_loop3A_116 : vector<1x16xf32> to vector<16xf32>
        %parallel_loop3A_118 = vector.shape_cast %parallel_loop3A_113 : vector<16xf32> to vector<1x16xf32>
        tpu.vector_store %arg12[%parallel_loop3A_114, %parallel_loop3A_115], %parallel_loop3A_118 {strides = array<i32>} : memref<128x80xf32, #tpu.memory_space<vmem>>, vector<1x16xf32>,
        %parallel_loop3A_119 = arith.constant 8 : i32
        %parallel_loop3A_120 = vector.broadcast %parallel_loop3A_119 : i32 to vector<16xi32>
        %parallel_loop3A_121 = arith.cmpi slt, %iota3A, %parallel_loop3A_120 : vector<16xi32>
        %parallel_loop3A_122 = arith.constant 0 : i32
        %parallel_loop3A_123 = arith.constant 1 : i32
        %parallel_loop3A_124 = vector.broadcast %parallel_loop3A_122 : i32 to vector<16xi32>
        %parallel_loop3A_125 = vector.broadcast %parallel_loop3A_123 : i32 to vector<16xi32>
        %parallel_loop3A_126 = arith.select %parallel_loop3A_121, %parallel_loop3A_124, %parallel_loop3A_125 : vector<16xi1>, vector<16xi32>
        %parallel_loop3A_127 = arith.constant 0 : i32
        %parallel_loop3A_128 = vector.broadcast %parallel_loop3A_127 : i32 to vector<16xi32>
        %parallel_loop3A_129 = arith.addi %parallel_loop3A_128, %parallel_loop3A_126 : vector<16xi32>
        %parallel_loop3A_130 = vector.shape_cast %parallel_loop3A_129 : vector<16xi32> to vector<16x1xi32>
        %parallel_loop3A_131 = vector.shape_cast %parallel_loop3A_130 : vector<16x1xi32> to vector<16xi32>
        %parallel_loop3A_132 = tpu.dynamic_gather %parallel_loop3A_107[%parallel_loop3A_131] in [0] : vector<16xf32>, vector<16xi32> -> vector<16xf32>
        %parallel_loop3A_133 = arith.index_cast %parallel_loop3A_87 : i32 to index
        %parallel_loop3A_134 = arith.constant 0 : index
        %parallel_loop3A_135 = tpu.vector_load %arg11[%parallel_loop3A_133, %parallel_loop3A_134] {strides = array<i32>} : memref<128x64xf32, #tpu.memory_space<vmem>>, vector<1x16xf32>,
        %parallel_loop3A_136 = vector.shape_cast %parallel_loop3A_135 : vector<1x16xf32> to vector<16xf32>
        %parallel_loop3A_137 = arith.mulf %parallel_loop3A_136, %parallel_loop3A_132 : vector<16xf32>
        %parallel_loop3A_138 = arith.index_cast %parallel_loop3A_87 : i32 to index
        %parallel_loop3A_139 = arith.constant 0 : index
        %parallel_loop3A_140 = tpu.vector_load %arg12[%parallel_loop3A_138, %parallel_loop3A_139] {strides = array<i32>} : memref<128x80xf32, #tpu.memory_space<vmem>>, vector<1x16xf32>,
        %parallel_loop3A_141 = vector.shape_cast %parallel_loop3A_140 : vector<1x16xf32> to vector<16xf32>
        %parallel_loop3A_142 = vector.shape_cast %parallel_loop3A_137 : vector<16xf32> to vector<1x16xf32>
        tpu.vector_store %arg12[%parallel_loop3A_138, %parallel_loop3A_139], %parallel_loop3A_142 {strides = array<i32>} : memref<128x80xf32, #tpu.memory_space<vmem>>, vector<1x16xf32>,
        %parallel_loop3A_143 = arith.constant 8 : i32
        %parallel_loop3A_144 = vector.broadcast %parallel_loop3A_143 : i32 to vector<16xi32>
        %parallel_loop3A_145 = arith.cmpi slt, %iota3A, %parallel_loop3A_144 : vector<16xi32>
        %parallel_loop3A_146 = arith.constant 0 : i32
        %parallel_loop3A_147 = arith.constant 1 : i32
        %parallel_loop3A_148 = vector.broadcast %parallel_loop3A_146 : i32 to vector<16xi32>
        %parallel_loop3A_149 = vector.broadcast %parallel_loop3A_147 : i32 to vector<16xi32>
        %parallel_loop3A_150 = arith.select %parallel_loop3A_145, %parallel_loop3A_148, %parallel_loop3A_149 : vector<16xi1>, vector<16xi32>
        %parallel_loop3A_151 = arith.constant 2 : i32
        %parallel_loop3A_152 = vector.broadcast %parallel_loop3A_151 : i32 to vector<16xi32>
        %parallel_loop3A_153 = arith.addi %parallel_loop3A_152, %parallel_loop3A_150 : vector<16xi32>
        %parallel_loop3A_154 = vector.shape_cast %parallel_loop3A_153 : vector<16xi32> to vector<16x1xi32>
        %parallel_loop3A_155 = vector.shape_cast %parallel_loop3A_154 : vector<16x1xi32> to vector<16xi32>
        %parallel_loop3A_156 = tpu.dynamic_gather %parallel_loop3A_107[%parallel_loop3A_155] in [0] : vector<16xf32>, vector<16xi32> -> vector<16xf32>
        %parallel_loop3A_157 = arith.index_cast %parallel_loop3A_87 : i32 to index
        %parallel_loop3A_158 = arith.constant 16 : index
        %parallel_loop3A_159 = tpu.vector_load %arg11[%parallel_loop3A_157, %parallel_loop3A_158] {strides = array<i32>} : memref<128x64xf32, #tpu.memory_space<vmem>>, vector<1x16xf32>,
        %parallel_loop3A_160 = vector.shape_cast %parallel_loop3A_159 : vector<1x16xf32> to vector<16xf32>
        %parallel_loop3A_161 = arith.mulf %parallel_loop3A_160, %parallel_loop3A_156 : vector<16xf32>
        %parallel_loop3A_162 = arith.index_cast %parallel_loop3A_87 : i32 to index
        %parallel_loop3A_163 = arith.constant 16 : index
        %parallel_loop3A_164 = tpu.vector_load %arg12[%parallel_loop3A_162, %parallel_loop3A_163] {strides = array<i32>} : memref<128x80xf32, #tpu.memory_space<vmem>>, vector<1x16xf32>,
        %parallel_loop3A_165 = vector.shape_cast %parallel_loop3A_164 : vector<1x16xf32> to vector<16xf32>
        %parallel_loop3A_166 = vector.shape_cast %parallel_loop3A_161 : vector<16xf32> to vector<1x16xf32>
        tpu.vector_store %arg12[%parallel_loop3A_162, %parallel_loop3A_163], %parallel_loop3A_166 {strides = array<i32>} : memref<128x80xf32, #tpu.memory_space<vmem>>, vector<1x16xf32>,
        %parallel_loop3A_167 = arith.constant 8 : i32
        %parallel_loop3A_168 = vector.broadcast %parallel_loop3A_167 : i32 to vector<16xi32>
        %parallel_loop3A_169 = arith.cmpi slt, %iota3A, %parallel_loop3A_168 : vector<16xi32>
        %parallel_loop3A_170 = arith.constant 0 : i32
        %parallel_loop3A_171 = arith.constant 1 : i32
        %parallel_loop3A_172 = vector.broadcast %parallel_loop3A_170 : i32 to vector<16xi32>
        %parallel_loop3A_173 = vector.broadcast %parallel_loop3A_171 : i32 to vector<16xi32>
        %parallel_loop3A_174 = arith.select %parallel_loop3A_169, %parallel_loop3A_172, %parallel_loop3A_173 : vector<16xi1>, vector<16xi32>
        %parallel_loop3A_175 = arith.constant 4 : i32
        %parallel_loop3A_176 = vector.broadcast %parallel_loop3A_175 : i32 to vector<16xi32>
        %parallel_loop3A_177 = arith.addi %parallel_loop3A_176, %parallel_loop3A_174 : vector<16xi32>
        %parallel_loop3A_178 = vector.shape_cast %parallel_loop3A_177 : vector<16xi32> to vector<16x1xi32>
        %parallel_loop3A_179 = vector.shape_cast %parallel_loop3A_178 : vector<16x1xi32> to vector<16xi32>
        %parallel_loop3A_180 = tpu.dynamic_gather %parallel_loop3A_107[%parallel_loop3A_179] in [0] : vector<16xf32>, vector<16xi32> -> vector<16xf32>
        %parallel_loop3A_181 = arith.index_cast %parallel_loop3A_87 : i32 to index
        %parallel_loop3A_182 = arith.constant 32 : index
        %parallel_loop3A_183 = tpu.vector_load %arg11[%parallel_loop3A_181, %parallel_loop3A_182] {strides = array<i32>} : memref<128x64xf32, #tpu.memory_space<vmem>>, vector<1x16xf32>,
        %parallel_loop3A_184 = vector.shape_cast %parallel_loop3A_183 : vector<1x16xf32> to vector<16xf32>
        %parallel_loop3A_185 = arith.mulf %parallel_loop3A_184, %parallel_loop3A_180 : vector<16xf32>
        %parallel_loop3A_186 = arith.index_cast %parallel_loop3A_87 : i32 to index
        %parallel_loop3A_187 = arith.constant 32 : index
        %parallel_loop3A_188 = tpu.vector_load %arg12[%parallel_loop3A_186, %parallel_loop3A_187] {strides = array<i32>} : memref<128x80xf32, #tpu.memory_space<vmem>>, vector<1x16xf32>,
        %parallel_loop3A_189 = vector.shape_cast %parallel_loop3A_188 : vector<1x16xf32> to vector<16xf32>
        %parallel_loop3A_190 = vector.shape_cast %parallel_loop3A_185 : vector<16xf32> to vector<1x16xf32>
        tpu.vector_store %arg12[%parallel_loop3A_186, %parallel_loop3A_187], %parallel_loop3A_190 {strides = array<i32>} : memref<128x80xf32, #tpu.memory_space<vmem>>, vector<1x16xf32>,
        %parallel_loop3A_191 = arith.constant 8 : i32
        %parallel_loop3A_192 = vector.broadcast %parallel_loop3A_191 : i32 to vector<16xi32>
        %parallel_loop3A_193 = arith.cmpi slt, %iota3A, %parallel_loop3A_192 : vector<16xi32>
        %parallel_loop3A_194 = arith.constant 0 : i32
        %parallel_loop3A_195 = arith.constant 1 : i32
        %parallel_loop3A_196 = vector.broadcast %parallel_loop3A_194 : i32 to vector<16xi32>
        %parallel_loop3A_197 = vector.broadcast %parallel_loop3A_195 : i32 to vector<16xi32>
        %parallel_loop3A_198 = arith.select %parallel_loop3A_193, %parallel_loop3A_196, %parallel_loop3A_197 : vector<16xi1>, vector<16xi32>
        %parallel_loop3A_199 = arith.constant 6 : i32
        %parallel_loop3A_200 = vector.broadcast %parallel_loop3A_199 : i32 to vector<16xi32>
        %parallel_loop3A_201 = arith.addi %parallel_loop3A_200, %parallel_loop3A_198 : vector<16xi32>
        %parallel_loop3A_202 = vector.shape_cast %parallel_loop3A_201 : vector<16xi32> to vector<16x1xi32>
        %parallel_loop3A_203 = vector.shape_cast %parallel_loop3A_202 : vector<16x1xi32> to vector<16xi32>
        %parallel_loop3A_204 = tpu.dynamic_gather %parallel_loop3A_107[%parallel_loop3A_203] in [0] : vector<16xf32>, vector<16xi32> -> vector<16xf32>
        %parallel_loop3A_205 = arith.index_cast %parallel_loop3A_87 : i32 to index
        %parallel_loop3A_206 = arith.constant 48 : index
        %parallel_loop3A_207 = tpu.vector_load %arg11[%parallel_loop3A_205, %parallel_loop3A_206] {strides = array<i32>} : memref<128x64xf32, #tpu.memory_space<vmem>>, vector<1x16xf32>,
        %parallel_loop3A_208 = vector.shape_cast %parallel_loop3A_207 : vector<1x16xf32> to vector<16xf32>
        %parallel_loop3A_209 = arith.mulf %parallel_loop3A_208, %parallel_loop3A_204 : vector<16xf32>
        %parallel_loop3A_210 = arith.index_cast %parallel_loop3A_87 : i32 to index
        %parallel_loop3A_211 = arith.constant 48 : index
        %parallel_loop3A_212 = tpu.vector_load %arg12[%parallel_loop3A_210, %parallel_loop3A_211] {strides = array<i32>} : memref<128x80xf32, #tpu.memory_space<vmem>>, vector<1x16xf32>,
        %parallel_loop3A_213 = vector.shape_cast %parallel_loop3A_212 : vector<1x16xf32> to vector<16xf32>
        %parallel_loop3A_214 = vector.shape_cast %parallel_loop3A_209 : vector<16xf32> to vector<1x16xf32>
        tpu.vector_store %arg12[%parallel_loop3A_210, %parallel_loop3A_211], %parallel_loop3A_214 {strides = array<i32>} : memref<128x80xf32, #tpu.memory_space<vmem>>, vector<1x16xf32>,
      } {sc.loop_unroll_factor = 8 : i64, sc.parallel_access}
      "tpu.region"() ({
        %run_scoped3A = tpu.sem_alloc : memref<!tpu.dma_semaphore, #tpu.memory_space<semaphore_mem>>
        %dma_start3A_87 = arith.constant 0 : i32
        %dma_start3A_88 = tpu.memref_slice %arg8[%scan3A_49, %dma_start3A_87] : memref<81x128xi32, #tpu.memory_space<vmem>> -> memref<1x128xi32, #tpu.memory_space<vmem>>
        %dma_start3A_89 = tpu.memref_squeeze %dma_start3A_88 : memref<1x128xi32, #tpu.memory_space<vmem>> -> memref<128xi32, #tpu.memory_space<vmem>>
        %dma_start3A_90 = arith.constant 0 : i32
        %dma_start3A_91 = arith.constant 0 : i32
        %dma_start3A_92 = tpu.memref_slice %arg13[%dma_start3A_90, %dma_start3A_91] : memref<10240x80xf32, #tpu.memory_space<vmem_shared>> -> memref<10240x80xf32, #tpu.memory_space<vmem_shared>>
        tpu.enqueue_indirect_dma source(%arg12 : memref<128x80xf32, #tpu.memory_space<vmem>>) target(%dma_start3A_92 : memref<10240x80xf32, #tpu.memory_space<vmem_shared>>) offsets(%dma_start3A_89 : memref<128xi32, #tpu.memory_space<vmem>>) semaphore(%run_scoped3A : memref<!tpu.dma_semaphore, #tpu.memory_space<semaphore_mem>>) {add = true}
        %dma_wait3A_93 = arith.constant 0 : i32
        %dma_wait3A_94 = tpu.memref_slice %arg8[%scan3A_49, %dma_wait3A_93] : memref<81x128xi32, #tpu.memory_space<vmem>> -> memref<1x128xi32, #tpu.memory_space<vmem>>
        %dma_wait3A_95 = tpu.memref_squeeze %dma_wait3A_94 : memref<1x128xi32, #tpu.memory_space<vmem>> -> memref<128xi32, #tpu.memory_space<vmem>>
        %dma_wait3A_96 = arith.constant 0 : i32
        %dma_wait3A_97 = arith.constant 0 : i32
        %dma_wait3A_98 = tpu.memref_slice %arg13[%dma_wait3A_96, %dma_wait3A_97] : memref<10240x80xf32, #tpu.memory_space<vmem_shared>> -> memref<10240x80xf32, #tpu.memory_space<vmem_shared>>
        tpu.wait_indirect_dma semaphore(%run_scoped3A : memref<!tpu.dma_semaphore, #tpu.memory_space<semaphore_mem>>) src(%arg12 : memref<128x80xf32, #tpu.memory_space<vmem>>) dst(%dma_wait3A_98 : memref<10240x80xf32, #tpu.memory_space<vmem_shared>>)
        tpu.yield
      }) : () -> ()
    }
    %scan3A_37 = arith.constant 81 : i32
    %barrier3A_38 = arith.constant 0 : index
    tpu.barrier barrier_id(%barrier3A_38)
    %add3A_39 = arith.constant 0 : i32
    %add3A_40 = arith.addi %mul3A_22, %add3A_39 : i32
    "tpu.region"() ({
      %run_scoped3A = tpu.sem_alloc : memref<!tpu.dma_semaphore, #tpu.memory_space<semaphore_mem>>
      %dma_start3A = arith.constant 0 : i32
      %dma_start3A_49 = tpu.memref_slice %arg6[%arg0, %add3A_40, %dma_start3A] : memref<2x10240x80xf32, #tpu.memory_space<hbm>> -> memref<1x128x80xf32, #tpu.memory_space<hbm>>
      %dma_start3A_50 = tpu.memref_squeeze %dma_start3A_49 : memref<1x128x80xf32, #tpu.memory_space<hbm>> -> memref<128x80xf32, #tpu.memory_space<hbm>>
      %dma_start3A_51 = arith.constant 0 : i32
      %dma_start3A_52 = tpu.memref_slice %arg13[%add3A_40, %dma_start3A_51] : memref<10240x80xf32, #tpu.memory_space<vmem_shared>> -> memref<128x80xf32, #tpu.memory_space<vmem_shared>>
      tpu.enqueue_dma source(%dma_start3A_52 : memref<128x80xf32, #tpu.memory_space<vmem_shared>>) target(%dma_start3A_50 : memref<128x80xf32, #tpu.memory_space<hbm>>) target_semaphore(%run_scoped3A : memref<!tpu.dma_semaphore, #tpu.memory_space<semaphore_mem>>)
      %dma_wait3A = arith.constant 0 : i32
      %dma_wait3A_53 = tpu.memref_slice %arg6[%arg0, %add3A_40, %dma_wait3A] : memref<2x10240x80xf32, #tpu.memory_space<hbm>> -> memref<1x128x80xf32, #tpu.memory_space<hbm>>
      %dma_wait3A_54 = tpu.memref_squeeze %dma_wait3A_53 : memref<1x128x80xf32, #tpu.memory_space<hbm>> -> memref<128x80xf32, #tpu.memory_space<hbm>>
      %dma_wait3A_55 = arith.constant 0 : i32
      %dma_wait3A_56 = tpu.memref_slice %arg13[%add3A_40, %dma_wait3A_55] : memref<10240x80xf32, #tpu.memory_space<vmem_shared>> -> memref<128x80xf32, #tpu.memory_space<vmem_shared>>
      tpu.wait_dma2 semaphore(%run_scoped3A : memref<!tpu.dma_semaphore, #tpu.memory_space<semaphore_mem>>) src(%dma_wait3A_56 : memref<128x80xf32, #tpu.memory_space<vmem_shared>>) dst(%dma_wait3A_54 : memref<128x80xf32, #tpu.memory_space<hbm>>)
      tpu.yield
    }) : () -> ()
    %add3A_41 = arith.constant 128 : i32
    %add3A_42 = arith.addi %mul3A_22, %add3A_41 : i32
    "tpu.region"() ({
      %run_scoped3A = tpu.sem_alloc : memref<!tpu.dma_semaphore, #tpu.memory_space<semaphore_mem>>
      %dma_start3A = arith.constant 0 : i32
      %dma_start3A_49 = tpu.memref_slice %arg6[%arg0, %add3A_42, %dma_start3A] : memref<2x10240x80xf32, #tpu.memory_space<hbm>> -> memref<1x128x80xf32, #tpu.memory_space<hbm>>
      %dma_start3A_50 = tpu.memref_squeeze %dma_start3A_49 : memref<1x128x80xf32, #tpu.memory_space<hbm>> -> memref<128x80xf32, #tpu.memory_space<hbm>>
      %dma_start3A_51 = arith.constant 0 : i32
      %dma_start3A_52 = tpu.memref_slice %arg13[%add3A_42, %dma_start3A_51] : memref<10240x80xf32, #tpu.memory_space<vmem_shared>> -> memref<128x80xf32, #tpu.memory_space<vmem_shared>>
      tpu.enqueue_dma source(%dma_start3A_52 : memref<128x80xf32, #tpu.memory_space<vmem_shared>>) target(%dma_start3A_50 : memref<128x80xf32, #tpu.memory_space<hbm>>) target_semaphore(%run_scoped3A : memref<!tpu.dma_semaphore, #tpu.memory_space<semaphore_mem>>)
      %dma_wait3A = arith.constant 0 : i32
      %dma_wait3A_53 = tpu.memref_slice %arg6[%arg0, %add3A_42, %dma_wait3A] : memref<2x10240x80xf32, #tpu.memory_space<hbm>> -> memref<1x128x80xf32, #tpu.memory_space<hbm>>
      %dma_wait3A_54 = tpu.memref_squeeze %dma_wait3A_53 : memref<1x128x80xf32, #tpu.memory_space<hbm>> -> memref<128x80xf32, #tpu.memory_space<hbm>>
      %dma_wait3A_55 = arith.constant 0 : i32
      %dma_wait3A_56 = tpu.memref_slice %arg13[%add3A_42, %dma_wait3A_55] : memref<10240x80xf32, #tpu.memory_space<vmem_shared>> -> memref<128x80xf32, #tpu.memory_space<vmem_shared>>
      tpu.wait_dma2 semaphore(%run_scoped3A : memref<!tpu.dma_semaphore, #tpu.memory_space<semaphore_mem>>) src(%dma_wait3A_56 : memref<128x80xf32, #tpu.memory_space<vmem_shared>>) dst(%dma_wait3A_54 : memref<128x80xf32, #tpu.memory_space<hbm>>)
      tpu.yield
    }) : () -> ()
    %add3A_43 = arith.constant 256 : i32
    %add3A_44 = arith.addi %mul3A_22, %add3A_43 : i32
    "tpu.region"() ({
      %run_scoped3A = tpu.sem_alloc : memref<!tpu.dma_semaphore, #tpu.memory_space<semaphore_mem>>
      %dma_start3A = arith.constant 0 : i32
      %dma_start3A_49 = tpu.memref_slice %arg6[%arg0, %add3A_44, %dma_start3A] : memref<2x10240x80xf32, #tpu.memory_space<hbm>> -> memref<1x128x80xf32, #tpu.memory_space<hbm>>
      %dma_start3A_50 = tpu.memref_squeeze %dma_start3A_49 : memref<1x128x80xf32, #tpu.memory_space<hbm>> -> memref<128x80xf32, #tpu.memory_space<hbm>>
      %dma_start3A_51 = arith.constant 0 : i32
      %dma_start3A_52 = tpu.memref_slice %arg13[%add3A_44, %dma_start3A_51] : memref<10240x80xf32, #tpu.memory_space<vmem_shared>> -> memref<128x80xf32, #tpu.memory_space<vmem_shared>>
      tpu.enqueue_dma source(%dma_start3A_52 : memref<128x80xf32, #tpu.memory_space<vmem_shared>>) target(%dma_start3A_50 : memref<128x80xf32, #tpu.memory_space<hbm>>) target_semaphore(%run_scoped3A : memref<!tpu.dma_semaphore, #tpu.memory_space<semaphore_mem>>)
      %dma_wait3A = arith.constant 0 : i32
      %dma_wait3A_53 = tpu.memref_slice %arg6[%arg0, %add3A_44, %dma_wait3A] : memref<2x10240x80xf32, #tpu.memory_space<hbm>> -> memref<1x128x80xf32, #tpu.memory_space<hbm>>
      %dma_wait3A_54 = tpu.memref_squeeze %dma_wait3A_53 : memref<1x128x80xf32, #tpu.memory_space<hbm>> -> memref<128x80xf32, #tpu.memory_space<hbm>>
      %dma_wait3A_55 = arith.constant 0 : i32
      %dma_wait3A_56 = tpu.memref_slice %arg13[%add3A_44, %dma_wait3A_55] : memref<10240x80xf32, #tpu.memory_space<vmem_shared>> -> memref<128x80xf32, #tpu.memory_space<vmem_shared>>
      tpu.wait_dma2 semaphore(%run_scoped3A : memref<!tpu.dma_semaphore, #tpu.memory_space<semaphore_mem>>) src(%dma_wait3A_56 : memref<128x80xf32, #tpu.memory_space<vmem_shared>>) dst(%dma_wait3A_54 : memref<128x80xf32, #tpu.memory_space<hbm>>)
      tpu.yield
    }) : () -> ()
    %add3A_45 = arith.constant 384 : i32
    %add3A_46 = arith.addi %mul3A_22, %add3A_45 : i32
    "tpu.region"() ({
      %run_scoped3A = tpu.sem_alloc : memref<!tpu.dma_semaphore, #tpu.memory_space<semaphore_mem>>
      %dma_start3A = arith.constant 0 : i32
      %dma_start3A_49 = tpu.memref_slice %arg6[%arg0, %add3A_46, %dma_start3A] : memref<2x10240x80xf32, #tpu.memory_space<hbm>> -> memref<1x128x80xf32, #tpu.memory_space<hbm>>
      %dma_start3A_50 = tpu.memref_squeeze %dma_start3A_49 : memref<1x128x80xf32, #tpu.memory_space<hbm>> -> memref<128x80xf32, #tpu.memory_space<hbm>>
      %dma_start3A_51 = arith.constant 0 : i32
      %dma_start3A_52 = tpu.memref_slice %arg13[%add3A_46, %dma_start3A_51] : memref<10240x80xf32, #tpu.memory_space<vmem_shared>> -> memref<128x80xf32, #tpu.memory_space<vmem_shared>>
      tpu.enqueue_dma source(%dma_start3A_52 : memref<128x80xf32, #tpu.memory_space<vmem_shared>>) target(%dma_start3A_50 : memref<128x80xf32, #tpu.memory_space<hbm>>) target_semaphore(%run_scoped3A : memref<!tpu.dma_semaphore, #tpu.memory_space<semaphore_mem>>)
      %dma_wait3A = arith.constant 0 : i32
      %dma_wait3A_53 = tpu.memref_slice %arg6[%arg0, %add3A_46, %dma_wait3A] : memref<2x10240x80xf32, #tpu.memory_space<hbm>> -> memref<1x128x80xf32, #tpu.memory_space<hbm>>
      %dma_wait3A_54 = tpu.memref_squeeze %dma_wait3A_53 : memref<1x128x80xf32, #tpu.memory_space<hbm>> -> memref<128x80xf32, #tpu.memory_space<hbm>>
      %dma_wait3A_55 = arith.constant 0 : i32
      %dma_wait3A_56 = tpu.memref_slice %arg13[%add3A_46, %dma_wait3A_55] : memref<10240x80xf32, #tpu.memory_space<vmem_shared>> -> memref<128x80xf32, #tpu.memory_space<vmem_shared>>
      tpu.wait_dma2 semaphore(%run_scoped3A : memref<!tpu.dma_semaphore, #tpu.memory_space<semaphore_mem>>) src(%dma_wait3A_56 : memref<128x80xf32, #tpu.memory_space<vmem_shared>>) dst(%dma_wait3A_54 : memref<128x80xf32, #tpu.memory_space<hbm>>)
      tpu.yield
    }) : () -> ()
    %add3A_47 = arith.constant 512 : i32
    %add3A_48 = arith.addi %mul3A_22, %add3A_47 : i32
    "tpu.region"() ({
      %run_scoped3A = tpu.sem_alloc : memref<!tpu.dma_semaphore, #tpu.memory_space<semaphore_mem>>
      %dma_start3A = arith.constant 0 : i32
      %dma_start3A_49 = tpu.memref_slice %arg6[%arg0, %add3A_48, %dma_start3A] : memref<2x10240x80xf32, #tpu.memory_space<hbm>> -> memref<1x128x80xf32, #tpu.memory_space<hbm>>
      %dma_start3A_50 = tpu.memref_squeeze %dma_start3A_49 : memref<1x128x80xf32, #tpu.memory_space<hbm>> -> memref<128x80xf32, #tpu.memory_space<hbm>>
      %dma_start3A_51 = arith.constant 0 : i32
      %dma_start3A_52 = tpu.memref_slice %arg13[%add3A_48, %dma_start3A_51] : memref<10240x80xf32, #tpu.memory_space<vmem_shared>> -> memref<128x80xf32, #tpu.memory_space<vmem_shared>>
      tpu.enqueue_dma source(%dma_start3A_52 : memref<128x80xf32, #tpu.memory_space<vmem_shared>>) target(%dma_start3A_50 : memref<128x80xf32, #tpu.memory_space<hbm>>) target_semaphore(%run_scoped3A : memref<!tpu.dma_semaphore, #tpu.memory_space<semaphore_mem>>)
      %dma_wait3A = arith.constant 0 : i32
      %dma_wait3A_53 = tpu.memref_slice %arg6[%arg0, %add3A_48, %dma_wait3A] : memref<2x10240x80xf32, #tpu.memory_space<hbm>> -> memref<1x128x80xf32, #tpu.memory_space<hbm>>
      %dma_wait3A_54 = tpu.memref_squeeze %dma_wait3A_53 : memref<1x128x80xf32, #tpu.memory_space<hbm>> -> memref<128x80xf32, #tpu.memory_space<hbm>>
      %dma_wait3A_55 = arith.constant 0 : i32
      %dma_wait3A_56 = tpu.memref_slice %arg13[%add3A_48, %dma_wait3A_55] : memref<10240x80xf32, #tpu.memory_space<vmem_shared>> -> memref<128x80xf32, #tpu.memory_space<vmem_shared>>
      tpu.wait_dma2 semaphore(%run_scoped3A : memref<!tpu.dma_semaphore, #tpu.memory_space<semaphore_mem>>) src(%dma_wait3A_56 : memref<128x80xf32, #tpu.memory_space<vmem_shared>>) dst(%dma_wait3A_54 : memref<128x80xf32, #tpu.memory_space<hbm>>)
      tpu.yield
    }) : () -> ()
    return
  }
}

module attributes {stable_mosaic.version = 14 : i64} {
  func.func @_tc_a(%arg0: i32, %arg1: memref<1024x128xf32, #tpu.memory_space<vmem>>, %arg2: memref<128x64xf32, #tpu.memory_space<vmem>>, %arg3: memref<64x16xf32, #tpu.memory_space<vmem>>, %arg4: memref<1024x64xf32, #tpu.memory_space<vmem>>, %arg5: memref<1024x16xf32, #tpu.memory_space<vmem>>) attributes {dimension_semantics = [#tpu.dimension_semantics<arbitrary>], iteration_bounds = array<i64: 10>, scalar_prefetch = 0 : i64, scratch_operands = 0 : i64, tpu.core_type = #tpu.core_type<tc>, window_params = [{transform_indices = @transform_0, window_bounds = array<i64: 1024, 128>}, {pipeline_mode = #tpu.pipeline_mode<synchronous>, transform_indices = @transform_1, window_bounds = array<i64: 128, 64>}, {pipeline_mode = #tpu.pipeline_mode<synchronous>, transform_indices = @transform_2, window_bounds = array<i64: 64, 16>}, {transform_indices = @transform_3, window_bounds = array<i64: 1024, 64>}, {transform_indices = @transform_4, window_bounds = array<i64: 1024, 16>}]} {
    %get3A = arith.constant 0 : index
    %get3A_0 = arith.constant 0 : index
    %get3A_1 = vector.load %arg1[%get3A, %get3A_0] : memref<1024x128xf32, #tpu.memory_space<vmem>>, vector<1024x128xf32>
    %get3A_2 = arith.constant 0 : index
    %get3A_3 = arith.constant 0 : index
    %get3A_4 = vector.load %arg2[%get3A_2, %get3A_3] : memref<128x64xf32, #tpu.memory_space<vmem>>, vector<128x64xf32>
    %dot_general3A = arith.constant dense<0.000000e+00> : vector<1024x64xf32>
    %dot_general3A_5 = tpu.matmul %get3A_1, %get3A_4, %dot_general3A {dimension_numbers = #tpu.dot_dimension_numbers<[1], [0], [0], [1], [0, 0, 1, 1], [], []>, transpose_lhs_hint = false} : vector<1024x128xf32>, vector<128x64xf32>, vector<1024x64xf32> -> vector<1024x64xf32>
    %swap3A = arith.constant 0 : index
    %swap3A_6 = arith.constant 0 : index
    %swap3A_7 = vector.load %arg4[%swap3A, %swap3A_6] : memref<1024x64xf32, #tpu.memory_space<vmem>>, vector<1024x64xf32>
    tpu.vector_store %arg4[%swap3A, %swap3A_6], %dot_general3A_5 {strides = array<i32>} : memref<1024x64xf32, #tpu.memory_space<vmem>>, vector<1024x64xf32>,
    %get3A_8 = arith.constant 0 : index
    %get3A_9 = arith.constant 0 : index
    %get3A_10 = vector.load %arg3[%get3A_8, %get3A_9] : memref<64x16xf32, #tpu.memory_space<vmem>>, vector<64x16xf32>
    %dot_general3A_11 = arith.constant dense<0.000000e+00> : vector<1024x16xf32>
    %dot_general3A_12 = tpu.matmul %dot_general3A_5, %get3A_10, %dot_general3A_11 {dimension_numbers = #tpu.dot_dimension_numbers<[1], [0], [0], [1], [0, 0, 1, 1], [], []>, transpose_lhs_hint = false} : vector<1024x64xf32>, vector<64x16xf32>, vector<1024x16xf32> -> vector<1024x16xf32>
    %swap3A_13 = arith.constant 0 : index
    %swap3A_14 = arith.constant 0 : index
    %swap3A_15 = vector.load %arg5[%swap3A_13, %swap3A_14] : memref<1024x16xf32, #tpu.memory_space<vmem>>, vector<1024x16xf32>
    tpu.vector_store %arg5[%swap3A_13, %swap3A_14], %dot_general3A_12 {strides = array<i32>} : memref<1024x16xf32, #tpu.memory_space<vmem>>, vector<1024x16xf32>,
    return
  }
  func.func @transform_0(%arg0: i32) -> (i32, i32) {
    %c0_i32 = arith.constant 0 : i32
    %c0_i32_0 = arith.constant 0 : i32
    return %arg0, %c0_i32 : i32, i32
  }
  func.func @transform_1(%arg0: i32) -> (i32, i32) {
    %c0_i32 = arith.constant 0 : i32
    %c0_i32_0 = arith.constant 0 : i32
    %c0_i32_1 = arith.constant 0 : i32
    return %c0_i32, %c0_i32_0 : i32, i32
  }
  func.func @transform_2(%arg0: i32) -> (i32, i32) {
    %c0_i32 = arith.constant 0 : i32
    %c0_i32_0 = arith.constant 0 : i32
    %c0_i32_1 = arith.constant 0 : i32
    return %c0_i32, %c0_i32_0 : i32, i32
  }
  func.func @transform_3(%arg0: i32) -> (i32, i32) {
    %c0_i32 = arith.constant 0 : i32
    %c0_i32_0 = arith.constant 0 : i32
    return %arg0, %c0_i32 : i32, i32
  }
  func.func @transform_4(%arg0: i32) -> (i32, i32) {
    %c0_i32 = arith.constant 0 : i32
    %c0_i32_0 = arith.constant 0 : i32
    return %arg0, %c0_i32 : i32, i32
  }
}

module attributes {stable_mosaic.version = 14 : i64} {
  func.func @_tc_c(%arg0: i32, %arg1: memref<2x1024x80xf32, #tpu.memory_space<vmem>>, %arg2: memref<1x64xf32, #tpu.memory_space<vmem>>, %arg3: memref<64x16xf32, #tpu.memory_space<vmem>>, %arg4: memref<16x16xf32, #tpu.memory_space<vmem>>, %arg5: memref<1024x16xf32, #tpu.memory_space<vmem>>, %arg6: memref<1024x16xf32, #tpu.memory_space<vmem>>) attributes {dimension_semantics = [#tpu.dimension_semantics<arbitrary>], iteration_bounds = array<i64: 10>, scalar_prefetch = 0 : i64, scratch_operands = 0 : i64, tpu.core_type = #tpu.core_type<tc>, window_params = [{transform_indices = @transform_0, window_bounds = array<i64: 2, 1024, 80>}, {pipeline_mode = #tpu.pipeline_mode<synchronous>, transform_indices = @transform_1, window_bounds = array<i64: 1, 64>}, {pipeline_mode = #tpu.pipeline_mode<synchronous>, transform_indices = @transform_2, window_bounds = array<i64: 64, 16>}, {pipeline_mode = #tpu.pipeline_mode<synchronous>, transform_indices = @transform_3, window_bounds = array<i64: 16, 16>}, {transform_indices = @transform_4, window_bounds = array<i64: 1024, 16>}, {transform_indices = @transform_5, window_bounds = array<i64: 1024, 16>}]} {
    %get3A = arith.constant 0 : index
    %get3A_0 = arith.constant 0 : index
    %get3A_1 = arith.constant 0 : index
    %get3A_2 = vector.load %arg1[%get3A, %get3A_0, %get3A_1] : memref<2x1024x80xf32, #tpu.memory_space<vmem>>, vector<1x1024x80xf32>
    %get3A_3 = vector.shape_cast %get3A_2 : vector<1x1024x80xf32> to vector<1024x80xf32>
    %get3A_4 = arith.constant 1 : index
    %get3A_5 = arith.constant 0 : index
    %get3A_6 = arith.constant 0 : index
    %get3A_7 = vector.load %arg1[%get3A_4, %get3A_5, %get3A_6] : memref<2x1024x80xf32, #tpu.memory_space<vmem>>, vector<1x1024x80xf32>
    %get3A_8 = vector.shape_cast %get3A_7 : vector<1x1024x80xf32> to vector<1024x80xf32>
    %add3A = arith.addf %get3A_3, %get3A_8 : vector<1024x80xf32>
    %slice3A = vector.extract_strided_slice %add3A {offsets = [0, 64], sizes = [1024, 8], strides = [1, 1]} : vector<1024x80xf32> to vector<1024x8xf32>
    %add3A_9 = arith.constant 1.000000e-16 : f32
    %add3A_10 = vector.broadcast %add3A_9 : f32 to vector<1024x8xf32>
    %add3A_11 = arith.addf %slice3A, %add3A_10 : vector<1024x8xf32>
    %slice3A_12 = vector.extract_strided_slice %add3A {offsets = [0, 0], sizes = [1024, 64], strides = [1, 1]} : vector<1024x80xf32> to vector<1024x64xf32>
    %reshape3A = vector.shape_cast %slice3A_12 : vector<1024x64xf32> to vector<1024x8x8xf32>
    %broadcast_in_dim3A = vector.shape_cast %add3A_11 : vector<1024x8xf32> to vector<1024x8x1xf32>
    %div3A = vector.broadcast %broadcast_in_dim3A : vector<1024x8x1xf32> to vector<1024x8x8xf32>
    %div3A_13 = arith.divf %reshape3A, %div3A : vector<1024x8x8xf32>
    %get3A_14 = arith.constant 0 : index
    %get3A_15 = arith.constant 0 : index
    %get3A_16 = vector.load %arg2[%get3A_14, %get3A_15] : memref<1x64xf32, #tpu.memory_space<vmem>>, vector<1x64xf32>
    %reshape3A_17 = vector.shape_cast %get3A_16 : vector<1x64xf32> to vector<1x8x8xf32>
    %add3A_18 = vector.broadcast %reshape3A_17 : vector<1x8x8xf32> to vector<1024x8x8xf32>
    %add3A_19 = arith.addf %div3A_13, %add3A_18 : vector<1024x8x8xf32>
    %reshape3A_20 = vector.shape_cast %add3A_19 : vector<1024x8x8xf32> to vector<1024x64xf32>
    %gt3A = arith.constant 0.000000e+00 : f32
    %gt3A_21 = vector.broadcast %gt3A : f32 to vector<1024x64xf32>
    %gt3A_22 = arith.cmpf ogt, %reshape3A_20, %gt3A_21 : vector<1024x64xf32>
    %min3A = arith.constant 0.000000e+00 : f32
    %min3A_23 = vector.broadcast %min3A : f32 to vector<1024x64xf32>
    %min3A_24 = arith.minimumf %reshape3A_20, %min3A_23 : vector<1024x64xf32>
    %exp3A = math.exp %min3A_24 : vector<1024x64xf32>
    %sub3A = arith.constant 1.000000e+00 : f32
    %sub3A_25 = vector.broadcast %sub3A : f32 to vector<1024x64xf32>
    %sub3A_26 = arith.subf %exp3A, %sub3A_25 : vector<1024x64xf32>
    %select_n3A = arith.select %gt3A_22, %reshape3A_20, %sub3A_26 : vector<1024x64xi1>, vector<1024x64xf32>
    %get3A_27 = arith.constant 0 : index
    %get3A_28 = arith.constant 0 : index
    %get3A_29 = vector.load %arg3[%get3A_27, %get3A_28] : memref<64x16xf32, #tpu.memory_space<vmem>>, vector<64x16xf32>
    %dot_general3A = arith.constant dense<0.000000e+00> : vector<1024x16xf32>
    %dot_general3A_30 = tpu.matmul %select_n3A, %get3A_29, %dot_general3A {dimension_numbers = #tpu.dot_dimension_numbers<[1], [0], [0], [1], [0, 0, 1, 1], [], []>, transpose_lhs_hint = false} : vector<1024x64xf32>, vector<64x16xf32>, vector<1024x16xf32> -> vector<1024x16xf32>
    %swap3A = arith.constant 0 : index
    %swap3A_31 = arith.constant 0 : index
    %swap3A_32 = vector.load %arg5[%swap3A, %swap3A_31] : memref<1024x16xf32, #tpu.memory_space<vmem>>, vector<1024x16xf32>
    tpu.vector_store %arg5[%swap3A, %swap3A_31], %dot_general3A_30 {strides = array<i32>} : memref<1024x16xf32, #tpu.memory_space<vmem>>, vector<1024x16xf32>,
    %get3A_33 = arith.constant 0 : index
    %get3A_34 = arith.constant 0 : index
    %get3A_35 = vector.load %arg4[%get3A_33, %get3A_34] : memref<16x16xf32, #tpu.memory_space<vmem>>, vector<16x16xf32>
    %dot_general3A_36 = arith.constant dense<0.000000e+00> : vector<1024x16xf32>
    %dot_general3A_37 = tpu.matmul %dot_general3A_30, %get3A_35, %dot_general3A_36 {dimension_numbers = #tpu.dot_dimension_numbers<[1], [0], [0], [1], [0, 0, 1, 1], [], []>, transpose_lhs_hint = false} : vector<1024x16xf32>, vector<16x16xf32>, vector<1024x16xf32> -> vector<1024x16xf32>
    %swap3A_38 = arith.constant 0 : index
    %swap3A_39 = arith.constant 0 : index
    %swap3A_40 = vector.load %arg6[%swap3A_38, %swap3A_39] : memref<1024x16xf32, #tpu.memory_space<vmem>>, vector<1024x16xf32>
    tpu.vector_store %arg6[%swap3A_38, %swap3A_39], %dot_general3A_37 {strides = array<i32>} : memref<1024x16xf32, #tpu.memory_space<vmem>>, vector<1024x16xf32>,
    return
  }
  func.func @transform_0(%arg0: i32) -> (i32, i32, i32) {
    %c0_i32 = arith.constant 0 : i32
    %c0_i32_0 = arith.constant 0 : i32
    %c0_i32_1 = arith.constant 0 : i32
    return %c0_i32, %arg0, %c0_i32_0 : i32, i32, i32
  }
  func.func @transform_1(%arg0: i32) -> (i32, i32) {
    %c0_i32 = arith.constant 0 : i32
    %c0_i32_0 = arith.constant 0 : i32
    %c0_i32_1 = arith.constant 0 : i32
    return %c0_i32, %c0_i32_0 : i32, i32
  }
  func.func @transform_2(%arg0: i32) -> (i32, i32) {
    %c0_i32 = arith.constant 0 : i32
    %c0_i32_0 = arith.constant 0 : i32
    %c0_i32_1 = arith.constant 0 : i32
    return %c0_i32, %c0_i32_0 : i32, i32
  }
  func.func @transform_3(%arg0: i32) -> (i32, i32) {
    %c0_i32 = arith.constant 0 : i32
    %c0_i32_0 = arith.constant 0 : i32
    %c0_i32_1 = arith.constant 0 : i32
    return %c0_i32, %c0_i32_0 : i32, i32
  }
  func.func @transform_4(%arg0: i32) -> (i32, i32) {
    %c0_i32 = arith.constant 0 : i32
    %c0_i32_0 = arith.constant 0 : i32
    return %arg0, %c0_i32 : i32, i32
  }
  func.func @transform_5(%arg0: i32) -> (i32, i32) {
    %c0_i32 = arith.constant 0 : i32
    %c0_i32_0 = arith.constant 0 : i32
    return %arg0, %c0_i32 : i32, i32
  }
}

module attributes {stable_mosaic.version = 14 : i64} {
  func.func @_tc_e(%arg0: i32, %arg1: memref<2x1024x32xf32, #tpu.memory_space<vmem>>, %arg2: memref<1x16xf32, #tpu.memory_space<vmem>>, %arg3: memref<1024x16xf32, #tpu.memory_space<vmem>>) attributes {dimension_semantics = [#tpu.dimension_semantics<arbitrary>], iteration_bounds = array<i64: 10>, scalar_prefetch = 0 : i64, scratch_operands = 0 : i64, tpu.core_type = #tpu.core_type<tc>, window_params = [{transform_indices = @transform_0, window_bounds = array<i64: 2, 1024, 32>}, {pipeline_mode = #tpu.pipeline_mode<synchronous>, transform_indices = @transform_1, window_bounds = array<i64: 1, 16>}, {transform_indices = @transform_2, window_bounds = array<i64: 1024, 16>}]} {
    %get3A = arith.constant 0 : index
    %get3A_0 = arith.constant 0 : index
    %get3A_1 = arith.constant 0 : index
    %get3A_2 = vector.load %arg1[%get3A, %get3A_0, %get3A_1] : memref<2x1024x32xf32, #tpu.memory_space<vmem>>, vector<1x1024x16xf32>
    %get3A_3 = vector.shape_cast %get3A_2 : vector<1x1024x16xf32> to vector<1024x16xf32>
    %get3A_4 = arith.constant 1 : index
    %get3A_5 = arith.constant 0 : index
    %get3A_6 = arith.constant 0 : index
    %get3A_7 = vector.load %arg1[%get3A_4, %get3A_5, %get3A_6] : memref<2x1024x32xf32, #tpu.memory_space<vmem>>, vector<1x1024x16xf32>
    %get3A_8 = vector.shape_cast %get3A_7 : vector<1x1024x16xf32> to vector<1024x16xf32>
    %add3A = arith.addf %get3A_3, %get3A_8 : vector<1024x16xf32>
    %get3A_9 = arith.constant 0 : index
    %get3A_10 = arith.constant 0 : index
    %get3A_11 = arith.constant 16 : index
    %get3A_12 = vector.load %arg1[%get3A_9, %get3A_10, %get3A_11] : memref<2x1024x32xf32, #tpu.memory_space<vmem>>, vector<1x1024x1xf32>
    %get3A_13 = vector.shape_cast %get3A_12 : vector<1x1024x1xf32> to vector<1024x1xf32>
    %get3A_14 = arith.constant 1 : index
    %get3A_15 = arith.constant 0 : index
    %get3A_16 = arith.constant 16 : index
    %get3A_17 = vector.load %arg1[%get3A_14, %get3A_15, %get3A_16] : memref<2x1024x32xf32, #tpu.memory_space<vmem>>, vector<1x1024x1xf32>
    %get3A_18 = vector.shape_cast %get3A_17 : vector<1x1024x1xf32> to vector<1024x1xf32>
    %add3A_19 = arith.addf %get3A_13, %get3A_18 : vector<1024x1xf32>
    %add3A_20 = arith.constant 1.000000e-16 : f32
    %add3A_21 = vector.broadcast %add3A_20 : f32 to vector<1024x1xf32>
    %add3A_22 = arith.addf %add3A_19, %add3A_21 : vector<1024x1xf32>
    %div3A = vector.broadcast %add3A_22 : vector<1024x1xf32> to vector<1024x16xf32>
    %div3A_23 = arith.divf %add3A, %div3A : vector<1024x16xf32>
    %get3A_24 = arith.constant 0 : index
    %get3A_25 = arith.constant 0 : index
    %get3A_26 = vector.load %arg2[%get3A_24, %get3A_25] : memref<1x16xf32, #tpu.memory_space<vmem>>, vector<1x16xf32>
    %add3A_27 = vector.broadcast %get3A_26 : vector<1x16xf32> to vector<1024x16xf32>
    %add3A_28 = arith.addf %div3A_23, %add3A_27 : vector<1024x16xf32>
    %swap3A = arith.constant 0 : index
    %swap3A_29 = arith.constant 0 : index
    %swap3A_30 = vector.load %arg3[%swap3A, %swap3A_29] : memref<1024x16xf32, #tpu.memory_space<vmem>>, vector<1024x16xf32>
    tpu.vector_store %arg3[%swap3A, %swap3A_29], %add3A_28 {strides = array<i32>} : memref<1024x16xf32, #tpu.memory_space<vmem>>, vector<1024x16xf32>,
    return
  }
  func.func @transform_0(%arg0: i32) -> (i32, i32, i32) {
    %c0_i32 = arith.constant 0 : i32
    %c0_i32_0 = arith.constant 0 : i32
    %c0_i32_1 = arith.constant 0 : i32
    return %c0_i32, %arg0, %c0_i32_0 : i32, i32, i32
  }
  func.func @transform_1(%arg0: i32) -> (i32, i32) {
    %c0_i32 = arith.constant 0 : i32
    %c0_i32_0 = arith.constant 0 : i32
    %c0_i32_1 = arith.constant 0 : i32
    return %c0_i32, %c0_i32_0 : i32, i32
  }
  func.func @transform_2(%arg0: i32) -> (i32, i32) {
    %c0_i32 = arith.constant 0 : i32
    %c0_i32_0 = arith.constant 0 : i32
    return %arg0, %c0_i32 : i32, i32
  }
}

</mosaic_0001>

<sc_bundles>
// kernel: kernel.10.cloned.1.call-start
scs
__scs_entry_jumppad:
0x0: {  	(pc) =	sbr.rel $0x88, $3  }
0x1: {  	(tag) =	ssettag $0x0;
	lr =	simm.s32 $0x1  }
0x2: {  	[smem:$0x3F97] =	sst lr;
	_ =	strace $0xD0000000  }
0x3: {  	_ = 	snop  }
0x4: {  	_ = 	snop  }
0x5: {  	_ = 	snop  }
0x6: {  	_ = 	snop  }
0x7: {  	_ = 	snop  }
__scs_overlays_trampoline_lowered:
0x8: {  	[smem:$0x3FA6] =	sst s0  }
0x9: {  	[smem:$0x3FA7] =	sst s1  }
0xa: {  	[smem:$0x3FA8] =	sst s2  }
0xb: {  	[smem:$0x3FA9] =	sst s3  }
0xc: {  	[smem:$0x3FAA] =	sst s4  }
0xd: {  	[smem:$0x3FAB] =	sst s5  }
0xe: {  	[smem:$0x3FAC] =	sst s6  }
0xf: {  	[smem:$0x3FAD] =	sst s7  }
0x10: {  	[smem:$0x3FAE] =	sst s8  }
0x11: {  	[smem:$0x3FAF] =	sst s9;
	s0 =	simm.s32 @!p0 $0x0  }
0x12: {  	s1 =	sld [smem:$0x3F95];
	s0 =	simm.s32 @p0 $0x1  }
0x13: {  	[smem:$0x3FB0] =	sst s0;
	s0 =	simm.s32 @!p1 $0x0  }
0x14: {  	s2 =	sld [smem:$0x3F94];
	s0 =	simm.s32 @p1 $0x1  }
0x15: {  	[smem:$0x3FB1] =	sst s0;
	s0 =	simm.s32 @!p2 $0x0  }
0x16: {  	s3 =	sld [smem:$0x3FDB];
	s0 =	simm.s32 @p2 $0x1  }
0x17: {  	s4 =	simm.s32 $0x1BF5;
	[smem:$0x3FB3] =	sst s0  }
0x18: {  	s0 =	sld [smem:$0x3F96];
	_ =	swait.ge [sflag:s4], $0x0  }
0x19: {  	s7 =	sld [smem:$0x3F97]  }
0x1a: {  	s8 =	sadd.s32 $0xFFFFE003, lr  }
0x1b: {  	s9 =	sadd.s32 $0xFFFFFEF7, lr;
	s5 =	simm.s32 $0xFFFFFFFF;
	p2 =	slt.u32 s8, $0xFFFFF086  }
0x1c: {  	p1 =	slt.u32 s9, $0xF7A;
	s5 =	simm.s32 @!p2 $0x0  }
0x1d: {  	s5 =	simm.s32 @p1 $0x1;
	p0 =	seq.s32 s7, s2  }
0x1e: {  	s7 =	smul.u32 @!p0 $0xF7A, s2;
	p2 =	seq.s32 @!p0 s5, $0x0  }
0x1f: {  	s9 =	smul.u32 $0xF7A, s1;
	s8 =	simm.s32 @!p0 $0x1BF5;
	p2 =	por !p2, p0  }
0x20: {  	[sflag:s8] =	ssyncset.s32 @!p0 $0xFFFFF086;
	s6 =	sadd.s32 @!p0 s3, s7;
	s7 =	simm.s32 @!p0 $0x108  }
0x21: {  	s3 =	sadd.s32 s3, s9;
	s6 =	sadd.s32 @!p0 $0x88, s6;
	s7 =	simm.s32 @p2 $0x1082  }
0x22: {  	[simem:s7], [sflag:s8] =	dma.local @!p0 [hbm:s6], $0xF7A  }
0x23: {  	s9 =	sor.u32 $0xD0000000, s2;
	s6 =	simm.s32 $0x108;
	_ =	swait.ge @!p0 [sflag:s8], $0x0  }
0x24: {  	s3 =	sadd.s32 $0x88, s3;
	s6 =	simm.s32 @!p1 $0x1082;
	[sflag:s4] =	ssyncset.s32 $0xFFFFF086  }
0x25: {  	[simem:s6], [sflag:s4] =	dma.local [hbm:s3], $0xF7A  }
0x26: {  	[smem:$0x3F97] =	sst s1;
	(tag) =	ssettag s2;
	_ =	strace s9  }
0x27: {  	s1 =	sld [smem:$0x3FA7]  }
0x28: {  	s2 =	sld [smem:$0x3FA8]  }
0x29: {  	s4 =	sld [smem:$0x3FAA]  }
0x2a: {  	p0 =	seq.s32 s5, $0x0;
	s5 =	sld [smem:$0x3FAB]  }
0x2b: {  	s6 =	sld [smem:$0x3FAC]  }
0x2c: {  	s7 =	sld [smem:$0x3FAD]  }
0x2d: {  	s3 =	simm.s32 $0x108;
	s8 =	sld [smem:$0x3FAE]  }
0x2e: {  	s3 =	simm.s32 @!p0 $0x1082;
	s9 =	sld [smem:$0x3FAF]  }
0x2f: {  	lr =	sadd.s32 s0, s3;
	s0 =	sld [smem:$0x3FA6]  }
0x30: {  	s3 =	sld [smem:$0x3FA9]  }
0x31: {  	[smem:$0x3FB2] =	sst s10  }
0x32: {  	s10 =	sld [smem:$0x3FB0];
	_ =	sdelay $0x3  }
0x33: {  	p0 =	seq.s32 s10, $0x1;
	s10 =	sld [smem:$0x3FB2];
	_ =	sdelay $0x3  }
0x34: {  	[smem:$0x3FB2] =	sst s10  }
0x35: {  	s10 =	sld [smem:$0x3FB1];
	_ =	sdelay $0x3  }
0x36: {  	p1 =	seq.s32 s10, $0x1;
	s10 =	sld [smem:$0x3FB2];
	_ =	sdelay $0x3  }
0x37: {  	[smem:$0x3FB2] =	sst s10  }
0x38: {  	s10 =	sld [smem:$0x3FB3]  }
0x39: {  	_ = 	snop;
	(pc) =	sbr.ind lr, $3  }
0x3a: {  	_ = 	snop  }
0x3b: {  	_ = 	snop  }
0x3c: {  	p2 =	seq.s32 s10, $0x1;
	s10 =	sld [smem:$0x3FB2]  }
0x3d: {  	_ =	shalt  }
0x3e: {  	_ =	shalt  }
0x3f: {  	_ =	shalt  }
0x40: {  	_ =	shalt  }
0x41: {  	_ =	shalt  }
0x42: {  	_ =	shalt  }
0x43: {  	_ =	shalt  }
0x44: {  	_ =	shalt  }
0x45: {  	_ =	shalt  }
0x46: {  	_ =	shalt  }
0x47: {  	_ =	shalt  }
0x48: {  	_ =	shalt  }
0x49: {  	_ =	shalt  }
0x4a: {  	_ =	shalt  }
0x4b: {  	_ =	shalt  }
0x4c: {  	_ =	shalt  }
0x4d: {  	_ =	shalt  }
0x4e: {  	_ =	shalt  }
0x4f: {  	_ =	shalt  }
0x50: {  	_ =	shalt  }
0x51: {  	_ =	shalt  }
0x52: {  	_ =	shalt  }
0x53: {  	_ =	shalt  }
0x54: {  	_ =	shalt  }
0x55: {  	_ =	shalt  }
0x56: {  	_ =	shalt  }
0x57: {  	_ =	shalt  }
0x58: {  	_ =	shalt  }
0x59: {  	_ =	shalt  }
0x5a: {  	_ =	shalt  }
0x5b: {  	_ =	shalt  }
0x5c: {  	_ =	shalt  }
0x5d: {  	_ =	shalt  }
0x5e: {  	_ =	shalt  }
0x5f: {  	_ =	shalt  }
0x60: {  	_ =	shalt  }
0x61: {  	_ =	shalt  }
0x62: {  	_ =	shalt  }
0x63: {  	_ =	shalt  }
0x64: {  	_ =	shalt  }
0x65: {  	_ =	shalt  }
0x66: {  	_ =	shalt  }
0x67: {  	_ =	shalt  }
0x68: {  	_ =	shalt  }
0x69: {  	_ =	shalt  }
0x6a: {  	_ =	shalt  }
0x6b: {  	_ =	shalt  }
0x6c: {  	_ =	shalt  }
0x6d: {  	_ =	shalt  }
0x6e: {  	_ =	shalt  }
0x6f: {  	_ =	shalt  }
0x70: {  	_ =	shalt  }
0x71: {  	_ =	shalt  }
0x72: {  	_ =	shalt  }
0x73: {  	_ =	shalt  }
0x74: {  	_ =	shalt  }
0x75: {  	_ =	shalt  }
0x76: {  	_ =	shalt  }
0x77: {  	_ =	shalt  }
0x78: {  	_ =	shalt  }
0x79: {  	_ =	shalt  }
0x7a: {  	_ =	shalt  }
0x7b: {  	_ =	shalt  }
0x7c: {  	_ =	shalt  }
0x7d: {  	_ =	shalt  }
0x7e: {  	_ =	shalt  }
0x7f: {  	_ =	shalt  }
0x80: {  	_ =	shalt  }
0x81: {  	_ =	shalt  }
0x82: {  	_ =	shalt  }
0x83: {  	_ =	shalt  }
0x84: {  	_ =	shalt  }
0x85: {  	_ =	shalt  }
0x86: {  	_ =	shalt  }
0x87: {  	_ =	shalt  }
.Lfunc_end0:
.L_simem_size_0:
called_computation.1_lowered:
.L_overlay_start_0:
0x88: {  	s2 =	sld [smem:$0x3FD9]  }
0x89: {  	s3 =	sld [smem:$0x3FFE];
	_ =	sdelay $0x1  }
0x8a: {  	s1 =	srdreg.scid  }
0x8b: {  	s0 =	sand.u32 $0x1, s1  }
0x8c: {  	s16 =	sshll.u32 s0, $0xA;
	s2 =	sadd.s32 s3, s2  }
0x8d: {  	s2 =	sadd.s32 s2, s16  }
0x8e: {  	[smem:$0x3FBE] =	sst s2  }
0x8f: {  	_ = 	snop  }
0x90: {  	(tm) =	ssettm $0x1  }
0x91: {  	s17 =	sld [smem:$0x3FFB];
	_ =	sdelay $0x3  }
0x92: {  	_ =	strace s17  }
0x93: {  	s2 =	sld [smem:$0x3FFC];
	_ =	sdelay $0x3  }
0x94: {  	_ =	strace s2  }
0x95: {  	s2 =	sld [smem:$0x3FFD];
	_ =	sdelay $0x3  }
0x96: {  	_ =	strace s2  }
0x97: {  	_ =	strace $0x8FFFFFFF  }
0x98: {  	s18 =	sld [smem:$0x3FDB];
	_ =	sdelay $0x1  }
0x99: {  	s19 =	simm.s32 $_scs_section_size  }
0x9a: {  	s4 =	simm.s32 $_size__tile_overlayer_lowered;
	s5 =	simm.s32 $_tile_overlayer_lowered  }
0x9b: {  	s22 =	simm.s32 $0x1BFF;
	s21 =	sshll.u32 s5, $0x1;
	s2 =	sadd.s32 s19, s18  }
0x9c: {  	s6 =	simm.s32 $0x0;
	s20 =	sshll.u32 s4, $0x1;
	s4 =	sadd.s32 s21, s2  }
0x9d: {  	[timem:s6], [sflag:s22] =	dma.local [hbm:s4], s20  }
0x9e: {  	_ =	swait.ge [sflag:s22], s20  }
0x9f: {  	s3 =	ssub.s32 $0x0, s20;
	[sflag:s22] =	ssyncset.done $0x0  }
0xa0: {  	[sflag:s22] =	ssyncadd.s32 s3;
	_ =	sdelay $0x1  }
0xa1: {  	s23 =	simm.s32 $0x1B8B  }
0xa2: {  	_ =	swait.ge [sflag:s23], $0x1  }
0xa3: {  	[sflag:s23] =	ssyncset.done $0x0  }
0xa4: {  	s25 =	simm.s32 $0x1B8E;
	s24 =	sld [smem:$0x3FFE];
	[sflag:s23] =	ssyncadd.s32 $0xFFFFFFFF  }
0xa5: {  	s26 =	simm.s32 $execute0_lowered;
	[smem:$0x3FD2] =	sst s25  }
0xa6: {  	s4 =	sshll.u32 s26, $0x1;
	_ =	strace $0x80000049;
	[dreg:$0x1] =	wrdreg $0xFFFFFFFF  }
0xa7: {  	s28 =	simm.s32 $_size_execute0_lowered;
	s2 =	sadd.s32 s2, s4;
	[dreg:$0x0] =	wrdreg $0x0  }
0xa8: {  	s4 =	sshll.u32 s28, $0x1;
	[dreg:$0x2] =	wrdreg s2  }
0xa9: {  	[dreg:$0x3] =	wrdreg s4  }
0xaa: {  	[dreg:$0x4] =	wrdreg $0xC0  }
0xab: {  	_ =	task [dreg:s6], $0x5FFFF  }
0xac: {  	[dreg:$0x1] =	wrdreg $0xFFFFFFFF  }
0xad: {  	[dreg:$0x0] =	wrdreg $0x60  }
0xae: {  	[dreg:$0x2] =	wrdreg s24  }
0xaf: {  	[dreg:$0x3] =	wrdreg $0x79000  }
0xb0: {  	[dreg:$0x4] =	wrdreg $0x9  }
0xb1: {  	_ =	task.clear_ibuf [dreg:s6], $0x5FFFF;
	_ =	strace $0x90000049  }
0xb2: {  	s29 =	simm.s32 $0x9;
	_ =	strace $0x8000004B  }
0xb3: {  	_ =	swait.ge [sflag:s29], $0x1  }
0xb4: {  	[sflag:s29] =	ssyncadd.s32 $0xFFFFFFFF  }
0xb5: {  	_ =	strace $0x9000004B  }
0xb6: {  	_ =	sfence  }
0xb7: {  	s30 =	sld [smem:$0x0];
	_ =	sdelay $0x2  }
0xb8: {  	s31 =	sshll.u32 s1, $0xD;
	s1 =	sshrl.u32 s1, $0x2  }
0xb9: {  	s3 =	sand.u32 $0x4000, s31;
	s1 =	sadd.s32 s1, s30  }
0xba: {  	s0 =	sor.u32 s3, s0;
	s1 =	sshll.u32 s1, $0x11  }
0xbb: {  	s0 =	sor.u32 s1, s0  }
0xbc: {  	s0 =	sadd.s32 $0x8F2B, s0  }
0xbd: {  	[sflag:s0] =	ssyncadd.remote.s32 $0x1  }
0xbe: {  	_ =	sfence.sel $0xFFFF  }
0xbf: {  	[dreg:$0x0] =	wrdreg $0xFFFFFFFF;
	(pc) =	sbr.abs _section_cstart, $3  }
0xc0: {  	[dreg:$0x1] =	wrdreg $0xFFFFFFFF  }
0xc1: {  	_ =	task.clear_ibuf [dreg:s6], $0x2FFFF;
	_ =	strace $0x9FFFFFFF  }
0xc2: {  	(tm) =	ssettm $0x7FFFFFFF  }
0xc3: {  	_ =	shalt  }
tec
execute0_lowered:
.L_overlay_start_1:
0x0: {  	(tag) =	ssettag $0x1  }
0x1: {  	s0 =	srdreg.scid;
	s1 =	rddreg [dreg:$0x0]  }
0x2: {  	s5 =	stileid.u32;
	s2 =	rddreg [dreg:$0x1]  }
0x3: {  	s4 =	simm.s32 $0x0;
	s19 =	simm.s32 $0x4;
	s21 =	simm.s32 $0x6900  }
0x4: {  	s22 =	simm.s32 $0x80;
	s28 =	simm.s32 $0x2;
	s29 =	simm.s32 $0x3  }
0x5: {  	s30 =	simm.s32 $0x0;
	s0 =	sand.u32 $0x1, s0;
	[smem:$0x7FF] =	sst s4  }
0x6: {  	s4 =	sadd.s32 $0x14600, s1;
	s12 =	smul.u32 $0x5000, s5;
	s3 =	sshll.u32 s0, $0x4  }
0x7: {  	_ =	strace $0x8000004A;
	s6 =	ssub.s32 $0x2, s0;
	s0 =	smul.u32 $0x50000, s0  }
0x8: {  	s3 =	sor.u32 s5, s3;
	s7 =	sshrl.u32 s6, $0x1;
	s5 =	sadd.s32 $0x19600, s1  }
0x9: {  	s8 =	sadd.s32 s12, s2;
	s24 =	sadd.s32 $0x1000, s12;
	s25 =	sadd.s32 $0x2000, s12  }
0xa: {  	s13 =	sadd.s32 $0x3000, s12;
	s15 =	sadd.s32 $0x4000, s12;
	s3 =	smul.u32 $0x510, s3  }
0xb: {  	s6 =	ssub.s32 s6, s7;
	s9 =	sadd.s32 s24, s2;
	s10 =	sadd.s32 s25, s2  }
0xc: {  	s11 =	sadd.s32 s13, s2;
	s14 =	sadd.s32 s12, s0;
	s12 =	sadd.s32 s15, s2  }
0xd: {  	s26 =	sadd.s32 s0, s25;
	s31 =	sadd.s32 s0, s13;
	s25 =	simm.s32 $0x5900  }
0xe: {  	v0 =	vimm.s32 $0xFEDCBA9;
	v1 =	vimm.s32 $0x87654321;
	s14 =	sshrl.u32 s14, $0x3;
	s7 =	sshrl.u32 s31, $0x3;
	s3 =	sadd.s32 s3, s1  }
0xf: {  	v0 =	vunpack.c.l.s4.s8 v0;
	v1 =	vunpack.c.l.s4.s8 v1;
	s18 =	smax.u32 s6, $0x1;
	s1 =	sadd.s32 $0x1E600, s1;
	s23 =	sadd.s32 $0xA400, s3  }
0x10: {  	s3 =	sadd.s32 $0x200, s3;
	s14 =	sadd.s32 s1, s14;
	[dreg:$0x3] =	wrdreg s23  }
0x11: {  	v0 =	vunpack.c.0.s8.s32 v0;
	v1 =	vunpack.c.0.s8.s32 v1;
	s16 =	sadd.s32 s1, s7;
	[dreg:$0x4] =	wrdreg s3;
	s3 =	sadd.s32 s0, s24  }
0x12: {  	[dreg:$0x5] =	wrdreg s14;
	s0 =	sadd.s32 s0, s15;
	s3 =	sshrl.u32 s3, $0x3  }
0x13: {  	v1 =	vcombine.low v1, v0;
	s23 =	simm.s32 $0x6100;
	s24 =	simm.s32 $0x5100;
	s3 =	sadd.s32 s1, s3  }
0x14: {  	v2 =	vimm.s32 $0x0;
	s0 =	sshrl.u32 s0, $0x3;
	[dreg:$0x6] =	wrdreg s3;
	s3 =	sshrl.u32 s26, $0x3  }
0x15: {  	vm0 =	vmmov $0x1;
	v0 =	vimm.f32 $0.0e+00;
	v1 =	vand.u32 $0xF, v1;
	s17 =	sadd.s32 s1, s0;
	s26 =	simm.s32 $0x1;
	s15 =	sadd.s32 s1, s3  }
.LBB2_1:
0x16: {  	s0 =	simm.s32 $0x0;
	s1 =	rddreg [dreg:$0x3]  }
0x17: {  	[tilespmem:s0], [sflag:$0x4] =	stream.linear.gather [hbm4b:s1+s0], $0x2880, $0x38;
	[tilespmem:$0xC900] =	vst v63  }
0x18: {  	_ =	swait.ge [sflag:s19], $0x2880  }
0x19: {  	[sflag:s19] =	ssyncset.done $0x0  }
0x1a: {  	s3 =	simm.s32 $0x2880;
	s31 =	rddreg [dreg:$0x4];
	[sflag:s19] =	ssyncadd.s32 $0xFFFFD780  }
0x1b: {  	[tilespmem:s3], [sflag:$0x4] =	stream.linear.gather [hbm4b:s31+s0], $0x2880, $0x38;
	[tilespmem:$0xC900] =	vst v63  }
0x1c: {  	_ =	swait.ge [sflag:s19], $0x2880  }
0x1d: {  	[sflag:s19] =	ssyncset.done $0x0  }
0x1e: {  	s0 =	simm.s32 $0x6940;
	[sflag:s19] =	ssyncadd.s32 $0xFFFFD780  }
0x1f: {  	[tilespmem:s0+$0xFFFFFFC0] =	vst v0  }
0x20: {  	[tilespmem:s0+$0x30] =	vst v0  }
0x21: {  	[tilespmem:s0+$0x20] =	vst v0  }
0x22: {  	[tilespmem:s0+$0x10] =	vst v0  }
0x23: {  	[tilespmem:s0+$0x0] =	vst v0  }
0x24: {  	[tilespmem:s0+$0xFFFFFFF0] =	vst v0  }
0x25: {  	s1 =	simm.s32 $0x0;
	[tilespmem:s0+$0xFFFFFFE0] =	vst v0  }
.LBB2_2:
0x26: {  	s1 =	sadd.s32 $0x4, s1;
	[tilespmem:s0+$0xFFFFFFD0] =	vst v0;
	s0 =	sadd.s32 $0x80, s0  }
0x27: {  	[tilespmem:s0+$0xFFFFFFC0] =	vst v0;
	p0 =	slt.u32 s1, $0x7C  }
0x28: {  	[tilespmem:s0+$0x30] =	vst v0  }
.Ltmp0:
0x29: {  	[tilespmem:s0+$0x20] =	vst v0;
	(pc) =	sbr.rel @p0 .LBB2_2-.Ltmp0, $4  }
0x2a: {  	[tilespmem:s0+$0x10] =	vst v0  }
0x2b: {  	[tilespmem:s0+$0x0] =	vst v0  }
0x2c: {  	[tilespmem:s0+$0xFFFFFFF0] =	vst v0  }
0x2d: {  	[tilespmem:s0+$0xFFFFFFE0] =	vst v0  }
0x2e: {  	[tilespmem:s0+$0xFFFFFFD0] =	vst v0  }
0x2f: {  	[spmem:s8] =	stream.linear.scatter [tilespmem:s21], [sflag:$0x4], $0x1000, $0x38;
	[tilespmem:$0xC900] =	vst v63  }
0x30: {  	_ =	swait.ge [sflag:s19], $0x1000  }
0x31: {  	[sflag:s19] =	ssyncset.done $0x0  }
0x32: {  	[sflag:s19] =	ssyncadd.s32 $0xFFFFF000  }
0x33: {  	[spmem:s9] =	stream.linear.scatter [tilespmem:s21], [sflag:$0x4], $0x1000, $0x38;
	[tilespmem:$0xC900] =	vst v63  }
0x34: {  	_ =	swait.ge [sflag:s19], $0x1000  }
0x35: {  	[sflag:s19] =	ssyncset.done $0x0  }
0x36: {  	[sflag:s19] =	ssyncadd.s32 $0xFFFFF000  }
0x37: {  	[spmem:s10] =	stream.linear.scatter [tilespmem:s21], [sflag:$0x4], $0x1000, $0x38;
	[tilespmem:$0xC900] =	vst v63  }
0x38: {  	_ =	swait.ge [sflag:s19], $0x1000  }
0x39: {  	[sflag:s19] =	ssyncset.done $0x0  }
0x3a: {  	[sflag:s19] =	ssyncadd.s32 $0xFFFFF000  }
0x3b: {  	[spmem:s11] =	stream.linear.scatter [tilespmem:s21], [sflag:$0x4], $0x1000, $0x38;
	[tilespmem:$0xC900] =	vst v63  }
0x3c: {  	_ =	swait.ge [sflag:s19], $0x1000  }
0x3d: {  	[sflag:s19] =	ssyncset.done $0x0  }
0x3e: {  	[sflag:s19] =	ssyncadd.s32 $0xFFFFF000  }
0x3f: {  	[spmem:s12] =	stream.linear.scatter [tilespmem:s21], [sflag:$0x4], $0x1000, $0x38;
	[tilespmem:$0xC900] =	vst v63  }
0x40: {  	_ =	swait.ge [sflag:s19], $0x1000  }
0x41: {  	[sflag:s19] =	ssyncset.done $0x0  }
0x42: {  	[sflag:s19] =	ssyncadd.s32 $0xFFFFF000  }
0x43: {  	s31 =	simm.s32 $0x0;
	[bflag:$0x0] =	sbarrier.arrive $0xFFFF  }
.LBB2_4:
0x44: {  	s0 =	sshll.u32 s31, $0x7  }
0x45: {  	[tilespmem:s23], [sflag:$0x1] =	stream.indirect.gather [hbm4b:s4+s22], $0x10, s0, s22, $0xb8;
	[tilespmem:$0xC900] =	vst v63  }
0x46: {  	_ = 	snop  }
0x47: {  	[tilespmem:s24], [sflag:$0x2] =	stream.indirect.gather [hbm4b:s5+s22], $0x10, s0, s22, $0xb8;
	[tilespmem:$0xC900] =	vst v63  }
0x48: {  	s1 =	sadd.s32 $0x2880, s0  }
0x49: {  	[tilespmem:s25], [sflag:$0x3] =	stream.indirect.gather [hbm4b:s5+s22], $0x10, s1, s22, $0xb8;
	[tilespmem:$0xC900] =	vst v63  }
0x4a: {  	_ =	swait.ge [sflag:s26], $0x800  }
0x4b: {  	[sflag:s26] =	ssyncset.done $0x0  }
0x4c: {  	[sflag:s26] =	ssyncadd.s32 $0xFFFFF800  }
0x4d: {  	_ =	swait.ge [sflag:s28], $0x800  }
0x4e: {  	[sflag:s28] =	ssyncset.done $0x0  }
0x4f: {  	[sflag:s28] =	ssyncadd.s32 $0xFFFFF800  }
0x50: {  	_ =	swait.ge [sflag:s29], $0x800  }
0x51: {  	[sflag:s29] =	ssyncset.done $0x0  }
0x52: {  	s14 =	simm.s32 $0x5940;
	[sflag:s29] =	ssyncadd.s32 $0xFFFFF800  }
0x53: {  	v3 =	vld [tilespmem:s14+$0xFFFFFFD0]  }
0x54: {  	s3 =	simm.s32 $0x5140;
	v4 =	vld [tilespmem:s14+$0xFFFFFFE0]  }
0x55: {  	v5 =	vld [tilespmem:s3+$0xFFFFFFE0]  }
0x56: {  	v6 =	vld [tilespmem:s14+$0x0]  }
0x57: {  	v7 =	vld [tilespmem:s14+$0x30]  }
0x58: {  	v8 =	vld [tilespmem:s3+$0x0]  }
0x59: {  	v10 =	vld [tilespmem:s3+$0x30]  }
0x5a: {  	s20 =	simm.s32 $0x59C0;
	v14 =	vld [tilespmem:s14+$0xFFFFFFF0]  }
0x5b: {  	v16 =	vld [tilespmem:s20+$0xFFFFFFD0]  }
0x5c: {  	v20 =	vld [tilespmem:s20+$0x10];
	v4 =	vperm.xlane v4, v1  }
0x5d: {  	v11 =	vld [tilespmem:s3+$0xFFFFFFD0]  }
0x5e: {  	v6 =	vperm.xlane v6, v1;
	v7 =	vperm.xlane v7, v1;
	v4 =	vadd.f32 v4, v5  }
0x5f: {  	v3 =	vperm.xlane v3, v1;
	v14 =	vperm.xlane v14, v1;
	v5 =	vld [tilespmem:s14+$0x20]  }
0x60: {  	v12 =	vld [tilespmem:s3+$0xFFFFFFF0];
	v16 =	vperm.xlane v16, v1;
	v6 =	vadd.f32 v6, v8;
	v8 =	vmul.f32 $2.000000030e-01, v4  }
0x61: {  	v13 =	vld [tilespmem:s3+$0x20];
	v20 =	vperm.xlane v20, v1;
	v7 =	vadd.f32 v7, v10;
	vm1 =	vgt.f32 v4, $0.0e+00  }
0x62: {  	v3 =	vadd.f32 v3, v11;
	v10 =	vmul.f32 $2.000000030e-01, v6;
	v4 =	vsel vm1, v4, v8;
	v8 =	vld [tilespmem:s14+$0x10]  }
0x63: {  	v11 =	vld [tilespmem:s14+$0xFFFFFFC0];
	v15 =	vmul.f32 $2.000000030e-01, v7;
	vm1 =	vgt.f32 v6, $0.0e+00;
	v4 =	vmul.f32 $1.442695020e+00, v4  }
0x64: {  	vm2 =	vgt.f32 v7, $0.0e+00;
	v5 =	vperm.xlane v5, v1;
	v6 =	vsel vm1, v6, v10;
	v10 =	vld [tilespmem:s3+$0x10]  }
0x65: {  	v9 =	vld [tilespmem:s3+$0xFFFFFFC0];
	v7 =	vsel vm2, v7, v15;
	(erf) = vpow2.f32 v4;
	v4 =	vmul.f32 $2.000000030e-01, v3  }
0x66: {  	vm1 =	vgt.f32 v3, $0.0e+00;
	v7 =	vmul.f32 $1.442695020e+00, v7;
	v6 =	vmul.f32 $1.442695020e+00, v6  }
0x67: {  	v5 =	vadd.f32 v5, v13;
	v3 =	vsel vm1, v3, v4;
	v4 =	vperm.xlane v8, v1  }
0x68: {  	s0 =	simm.s32 $0x51C0;
	v19 =	vld [tilespmem:s20+$0xFFFFFFC0];
	(erf) = vpow2.f32 v6;
	v8 =	vperm.xlane v11, v1;
	v11 =	vadd.f32 v14, v12  }
0x69: {  	v23 =	vld [tilespmem:s0+$0x10];
	v14 =	vmul.f32 $2.000000030e-01, v5;
	v3 =	vmul.f32 $1.442695020e+00, v3;
	v4 =	vadd.f32 v4, v10  }
0x6a: {  	v6 =	vld [tilespmem:s0+$0xFFFFFFC0];
	(erf) = vpow2.f32 v7;
	v7 =	vadd.f32 v8, v9;
	v8 =	vmul.f32 $2.000000030e-01, v11  }
0x6b: {  	v9 =	vld [tilespmem:s0+$0xFFFFFFD0];
	vm2 =	vgt.f32 v11, $0.0e+00;
	(erf) = vpow2.f32 v3;
	v3 =	vmul.f32 $2.000000030e-01, v4  }
0x6c: {  	v12 =	vld [tilespmem:s0+$0xFFFFFFE0];
	vm1 =	vgt.f32 v4, $0.0e+00;
	v8 =	vsel vm2, v11, v8;
	v17 =	vmul.f32 $2.000000030e-01, v7  }
0x6d: {  	v11 =	vld [tilespmem:s20+$0x20];
	v18 =	vsel vm1, v4, v3;
	v3 =	vmul.f32 $1.442695020e+00, v8;
	vm1 =	vgt.f32 v7, $0.0e+00  }
0x6e: {  	v29 =	vadd.f32 v20, v23;
	vm3 =	vgt.f32 v5, $0.0e+00;
	v10 =	vld [tilespmem:s0+$0x20];
	v4 =	vpop (erf);
	v7 =	vsel vm1, v7, v17  }
0x6f: {  	v25 =	vperm.xlane v4, v2;
	v4 =	vsel vm3, v5, v14;
	v5 =	vld [tilespmem:s20+$0xFFFFFFE0];
	v7 =	vmul.f32 $1.442695020e+00, v7  }
0x70: {  	v8 =	vld [tilespmem:s20+$0x0];
	v9 =	vadd.f32 v16, v9;
	(erf) = vpow2.f32 v3  }
0x71: {  	v19 =	vperm.xlane v19, v1;
	vm2 =	vgt.f32 v29, $0.0e+00;
	v14 =	vld [tilespmem:s20+$0xFFFFFFF0];
	v3 =	vpop (erf);
	(erf) = vpow2.f32 v7  }
0x72: {  	s6 =	simm.s32 $0x6140;
	v21 =	vld [tilespmem:s0+$0x0];
	v4 =	vmul.f32 $1.442695020e+00, v4;
	v11 =	vperm.xlane v11, v1;
	vm1 =	vgt.f32 v9, $0.0e+00  }
0x73: {  	v13 =	vld [tilespmem:s6+$0x30];
	v17 =	vnsel vm0, $0x0, v25;
	v7 =	vmul.f32 $2.000000030e-01, v9;
	v3 =	vperm.xlane v3, v2  }
0x74: {  	v16 =	vld [tilespmem:s20+$0x30];
	(erf) = vpow2.f32 v4;
	v26 =	vadd.f32 v11, v10;
	v5 =	vperm.xlane v5, v1  }
0x75: {  	v15 =	vld [tilespmem:s0+$0xFFFFFFF0];
	v22 =	vperm.xlane v8, v1;
	v8 =	vadd.f32 v19, v6;
	v7 =	vsel vm1, v9, v7  }
0x76: {  	v9 =	vld [tilespmem:s0+$0x30];
	v4 =	vpop (erf);
	v10 =	vmul.f32 $1.442695020e+00, v7;
	v7 =	vadd.f32 v5, v12;
	v12 =	vperm.xlane v14, v1  }
0x77: {  	v27 =	vmul.f32 $2.000000030e-01, v26;
	v19 =	vadd.f32 v22, v21;
	v11 =	vperm.xlane v4, v2;
	v4 =	vpop (erf)  }
0x78: {  	v6 =	vld [tilespmem:s6+$0x10];
	v21 =	vmul.f32 $1.442695020e+00, v18;
	vm3 =	vgt.f32 v26, $0.0e+00;
	v4 =	vperm.xlane v4, v2  }
0x79: {  	v22 =	vld [tilespmem:s6+$0xFFFFFFC0];
	v5 =	vperm.xlane v16, v1;
	v28 =	vnsel vm0, $0x0, v11;
	v11 =	vmul.f32 v13, v11;
	v16 =	vpop (erf)  }
0x7a: {  	v13 =	vld [tilespmem:s6+$0xFFFFFFE0];
	v14 =	vadd.f32 v12, v15;
	v15 =	vmul.f32 $2.000000030e-01, v7;
	v12 =	vpop (erf);
	(erf) = vpow2.f32 v21  }
0x7b: {  	s3 =	simm.s32 $0x6980;
	v20 =	vmul.f32 $2.000000030e-01, v19;
	v18 =	vadd.f32 v5, v9;
	v5 =	vld [tilespmem:s6+$0x0];
	vm1 =	vgt.f32 v7, $0.0e+00  }
0x7c: {  	[tilespmem:s3+$0xFFFFFFD0] =	vst v17;
	v17 =	vmul.f32 $2.000000030e-01, v29;
	v9 =	vperm.xlane v16, v2;
	v7 =	vsel vm1, v7, v15;
	v21 =	vld [tilespmem:s6+$0x20]  }
0x7d: {  	vm1 =	vgt.f32 v19, $0.0e+00;
	v16 =	vperm.xlane v12, v2;
	v12 =	vld [tilespmem:s6+$0xFFFFFFD0];
	v24 =	vpop (erf);
	v7 =	vmul.f32 $1.442695020e+00, v7  }
0x7e: {  	s20 =	simm.s32 $0x61C0;
	v23 =	vmul.f32 $2.000000030e-01, v18;
	v15 =	vsel vm1, v19, v20;
	v19 =	vld [tilespmem:s6+$0xFFFFFFF0];
	v20 =	vperm.xlane v24, v2  }
0x7f: {  	s13 =	simm.s32 $0x8;
	[tilespmem:s3+$0x60] =	vst v11;
	v11 =	vsel vm2, v29, v17;
	v24 =	vmul.f32 $1.442695020e+00, v15;
	v15 =	vld [tilespmem:s20+$0xFFFFFFE0];
	(erf) = vpow2.f32 v7  }
0x80: {  	s7 =	simm.s32 $0x6980;
	s14 =	simm.s32 $0x5A40;
	[tilespmem:s3+$0x70] =	vst v28;
	v17 =	vsel vm3, v26, v27;
	vm1 =	vgt.f32 v18, $0.0e+00;
	s6 =	simm.s32 $0x61C0;
	v13 =	vmul.f32 v13, v25;
	v7 =	vld [tilespmem:s20+$0x30]  }
.LBB2_5:
0x81: {  	v25 =	vld [tilespmem:s14+$0xFFFFFFD0];
	s13 =	sadd.s32 $0x8, s13;
	v18 =	vsel vm1, v18, v23;
	s0 =	sadd.s32 $0x80, s0;
	(erf) = vpow2.f32 v24;
	v21 =	vmul.f32 v21, v20;
	s3 =	sadd.s32 $0x100, s3  }
0x82: {  	v26 =	vnsel vm0, $0x0, v20;
	v23 =	vld [tilespmem:s0+$0xFFFFFFC0];
	p0 =	slt.u32 s13, $0x78;
	v18 =	vmul.f32 $1.442695020e+00, v18;
	v22 =	vmul.f32 v22, v16;
	[tilespmem:s7+$0xFFFFFFC0] =	vst v13  }
0x83: {  	vm1 =	vgt.f32 v14, $0.0e+00;
	v24 =	vmul.f32 $2.000000030e-01, v14;
	v20 =	vld [tilespmem:s0+$0xFFFFFFE0];
	v19 =	vmul.f32 v19, v9;
	[tilespmem:s7+$0x50] =	vst v26;
	v13 =	vpop (erf)  }
0x84: {  	v16 =	vnsel vm0, $0x0, v16;
	v26 =	vld [tilespmem:s0+$0xFFFFFFF0];
	(erf) = vpow2.f32 v18;
	v18 =	vperm.xlane v13, v2;
	[tilespmem:s7+$0x40] =	vst v21;
	v13 =	vmovc v15  }
0x85: {  	v14 =	vsel vm1, v14, v24;
	v15 =	vld [tilespmem:s0+$0xFFFFFFD0];
	(erf) = vpow2.f32 v10;
	[tilespmem:s7+$0xFFFFFF90] =	vst v16;
	v10 =	vnsel vm0, $0x0, v3  }
0x86: {  	v16 =	vperm.xlane v25, v1;
	v21 =	vld [tilespmem:s0+$0x20];
	[tilespmem:s7+$0xFFFFFF80] =	vst v22;
	v6 =	vmul.f32 v6, v18;
	v18 =	vnsel vm0, $0x0, v18  }
0x87: {  	v24 =	vmul.f32 $2.000000030e-01, v8;
	v9 =	vnsel vm0, $0x0, v9;
	v14 =	vmul.f32 $1.442695020e+00, v14;
	v22 =	vld [tilespmem:s14+$0x20];
	[tilespmem:s7+$0x30] =	vst v18  }
0x88: {  	v12 =	vmul.f32 v12, v4;
	v4 =	vnsel vm0, $0x0, v4;
	vm1 =	vgt.f32 v8, $0.0e+00;
	v18 =	vld [tilespmem:s14+$0x0];
	v25 =	vpop (erf);
	[tilespmem:s7+$0x10] =	vst v10  }
0x89: {  	v8 =	vsel vm1, v8, v24;
	v10 =	vld [tilespmem:s14+$0xFFFFFFC0];
	v25 =	vperm.xlane v25, v2;
	(erf) = vpow2.f32 v14;
	[tilespmem:s7+$0xFFFFFFB0] =	vst v4  }
0x8a: {  	v24 =	vmul.f32 $1.442695020e+00, v17;
	v8 =	vmul.f32 $1.442695020e+00, v8;
	v4 =	vadd.f32 v16, v15;
	v14 =	vld [tilespmem:s14+$0xFFFFFFE0];
	v16 =	vpop (erf);
	[tilespmem:s7+$0xFFFFFFF0] =	vst v9  }
0x8b: {  	v5 =	vmul.f32 v5, v3;
	v9 =	vld [tilespmem:s14+$0xFFFFFFF0];
	v17 =	vnsel vm0, $0x0, v25;
	[tilespmem:s7+$0xFFFFFFE0] =	vst v19;
	v3 =	vperm.xlane v16, v2  }
0x8c: {  	v16 =	vperm.xlane v22, v1;
	v19 =	vld [tilespmem:s14+$0x30];
	(erf) = vpow2.f32 v8;
	[tilespmem:s7+$0xFFFFFFA0] =	vst v12  }
0x8d: {  	vm1 =	vgt.f32 v4, $0.0e+00;
	v8 =	vmul.f32 $2.000000030e-01, v4;
	v12 =	vld [tilespmem:s14+$0x10];
	(erf) = vpow2.f32 v24;
	v15 =	vpop (erf);
	[tilespmem:s7+$0x0] =	vst v5  }
0x8e: {  	v5 =	vperm.xlane v10, v1;
	v22 =	vld [tilespmem:s0+$0x0];
	v27 =	vadd.f32 v16, v21;
	v15 =	vperm.xlane v15, v2;
	v10 =	vpop (erf);
	[tilespmem:s7+$0x20] =	vst v6;
	s7 =	smov.u32 s3  }
0x8f: {  	v6 =	vsel vm1, v4, v8;
	v8 =	vperm.xlane v14, v1;
	v16 =	vld [tilespmem:s0+$0x30];
	v4 =	vperm.xlane v10, v2;
	[tilespmem:s3+$0xFFFFFFD0] =	vst v17  }
0x90: {  	v14 =	vperm.xlane v18, v1;
	v17 =	vld [tilespmem:s0+$0x10];
	v28 =	vmul.f32 $2.000000030e-01, v27;
	v18 =	vnsel vm0, $0x0, v15  }
0x91: {  	v10 =	vmul.f32 $1.442695020e+00, v6;
	v20 =	vadd.f32 v8, v20;
	v19 =	vperm.xlane v19, v1;
	v6 =	vld [tilespmem:s20+$0x10];
	[tilespmem:s3+$0x70] =	vst v18  }
0x92: {  	v7 =	vmul.f32 v7, v15;
	v8 =	vadd.f32 v5, v23;
	v5 =	vperm.xlane v9, v1;
	v9 =	vpop (erf)  }
0x93: {  	v11 =	vmul.f32 $1.442695020e+00, v11;
	v21 =	vperm.xlane v12, v1;
	v15 =	vadd.f32 v14, v22  }
0x94: {  	v14 =	vadd.f32 v5, v26;
	v9 =	vperm.xlane v9, v2;
	v18 =	vadd.f32 v19, v16;
	[tilespmem:s3+$0x60] =	vst v7  }
0x95: {  	v7 =	vmul.f32 $2.000000030e-01, v20;
	v17 =	vadd.f32 v21, v17;
	v5 =	vld [tilespmem:s20+$0x0];
	v12 =	vpop (erf);
	(erf) = vpow2.f32 v11  }
0x96: {  	vm1 =	vgt.f32 v20, $0.0e+00;
	v11 =	vmul.f32 $2.000000030e-01, v15;
	v16 =	vperm.xlane v12, v2;
	v12 =	vld [tilespmem:s20+$0xFFFFFFD0];
	v19 =	vpop (erf)  }
.Ltmp1:
0x97: {  	v7 =	vsel vm1, v20, v7;
	vm1 =	vgt.f32 v15, $0.0e+00;
	v23 =	vmul.f32 $2.000000030e-01, v18;
	s20 =	sadd.s32 $0x80, s20;
	v21 =	vld [tilespmem:s6+$0x20];
	(pc) =	sbr.rel @p0 .LBB2_5-.Ltmp1, $4  }
0x98: {  	v7 =	vmul.f32 $1.442695020e+00, v7;
	v11 =	vsel vm1, v15, v11;
	v20 =	vperm.xlane v19, v2;
	v22 =	vld [tilespmem:s6+$0xFFFFFFC0]  }
0x99: {  	vm2 =	vgt.f32 v17, $0.0e+00;
	v24 =	vmul.f32 $1.442695020e+00, v11;
	v11 =	vmul.f32 $2.000000030e-01, v17;
	v19 =	vld [tilespmem:s6+$0xFFFFFFF0];
	s6 =	smov.u32 s20  }
0x9a: {  	vm3 =	vgt.f32 v27, $0.0e+00;
	vm1 =	vgt.f32 v18, $0.0e+00;
	v15 =	vld [tilespmem:s20+$0xFFFFFFE0];
	(erf) = vpow2.f32 v7  }
0x9b: {  	v13 =	vmul.f32 v13, v25;
	s14 =	sadd.s32 $0x80, s14;
	v11 =	vsel vm2, v17, v11;
	v17 =	vsel vm3, v27, v28;
	v7 =	vld [tilespmem:s20+$0x30]  }
0x9c: {  	v18 =	vsel vm1, v18, v23;
	(erf) = vpow2.f32 v24  }
0x9d: {  	v21 =	vmul.f32 v21, v20;
	v61 =	vmul.f32 $2.000000030e-01, v14;
	v62 =	vnsel vm0, $0x0, v20  }
0x9e: {  	vm1 =	vgt.f32 v14, $0.0e+00;
	v63 =	vmul.f32 $2.000000030e-01, v8;
	v30 =	vnsel vm0, $0x0, v16;
	[tilespmem:s7+$0xFFFFFFC0] =	vst v13  }
0x9f: {  	v31 =	vmul.f32 $1.442695020e+00, v17;
	v33 =	vnsel vm0, $0x0, v3;
	v34 =	vnsel vm0, $0x0, v4;
	[tilespmem:s7+$0x50] =	vst v62  }
0xa0: {  	v38 =	vnsel vm0, $0x0, v9;
	v39 =	vmul.f32 v12, v4;
	v18 =	vmul.f32 $1.442695020e+00, v18;
	[tilespmem:s7+$0xFFFFFF90] =	vst v30  }
0xa1: {  	v3 =	vmul.f32 v5, v3;
	[tilespmem:s7+$0x10] =	vst v33;
	v14 =	vsel vm1, v14, v61;
	vm1 =	vgt.f32 v8, $0.0e+00  }
0xa2: {  	[tilespmem:s7+$0xFFFFFFB0] =	vst v34;
	(erf) = vpow2.f32 v18;
	v14 =	vmul.f32 $1.442695020e+00, v14;
	v8 =	vsel vm1, v8, v63  }
0xa3: {  	[tilespmem:s7+$0xFFFFFFF0] =	vst v38;
	v28 =	vpop (erf);
	(erf) = vpow2.f32 v10;
	v8 =	vmul.f32 $1.442695020e+00, v8  }
0xa4: {  	v22 =	vmul.f32 v22, v16;
	[tilespmem:s7+$0x40] =	vst v21;
	(erf) = vpow2.f32 v14  }
0xa5: {  	v37 =	vmul.f32 v19, v9;
	[tilespmem:s7+$0xFFFFFFA0] =	vst v39;
	(erf) = vpow2.f32 v8  }
0xa6: {  	[tilespmem:s7+$0x0] =	vst v3;
	v29 =	vperm.xlane v28, v2;
	(erf) = vpow2.f32 v31  }
0xa7: {  	v35 =	vmul.f32 $1.442695020e+00, v11;
	v59 =	vld [tilespmem:s20+$0x0];
	[tilespmem:s7+$0xFFFFFF80] =	vst v22;
	v36 =	vpop (erf)  }
0xa8: {  	[tilespmem:s7+$0xFFFFFFE0] =	vst v37;
	v32 =	vnsel vm0, $0x0, v29;
	v42 =	vmul.f32 v6, v29;
	v43 =	vperm.xlane v36, v2  }
0xa9: {  	[tilespmem:s7+$0x30] =	vst v32;
	(erf) = vpow2.f32 v35;
	v40 =	vpop (erf)  }
0xaa: {  	s0 =	sadd.s32 $0x100, s3;
	[tilespmem:s7+$0x20] =	vst v42;
	v11 =	vnsel vm0, $0x0, v43;
	v6 =	vmul.f32 v15, v43;
	v57 =	vperm.xlane v40, v2  }
0xab: {  	v55 =	vld [tilespmem:s6+$0xFFFFFFF0];
	[tilespmem:s0+$0xFFFFFFD0] =	vst v11;
	v41 =	vpop (erf)  }
0xac: {  	[tilespmem:s0+$0xFFFFFFC0] =	vst v6;
	v61 =	vnsel vm0, $0x0, v57;
	v4 =	vmul.f32 v59, v57;
	v44 =	vpop (erf);
	v3 =	vperm.xlane v41, v2  }
0xad: {  	v46 =	vld [tilespmem:s6+$0x20];
	[tilespmem:s0+$0x10] =	vst v61;
	v45 =	vpop (erf)  }
0xae: {  	v50 =	vld [tilespmem:s6+$0xFFFFFFC0];
	[tilespmem:s0+$0x0] =	vst v4;
	v47 =	vpop (erf);
	v48 =	vnsel vm0, $0x0, v3;
	v3 =	vmul.f32 v7, v3;
	v9 =	vperm.xlane v45, v2  }
0xaf: {  	v49 =	vpop (erf);
	[tilespmem:s0+$0x70] =	vst v48  }
0xb0: {  	v7 =	vperm.xlane v49, v2;
	[tilespmem:s0+$0x60] =	vst v3;
	v10 =	vmul.f32 v55, v9;
	v9 =	vnsel vm0, $0x0, v9  }
0xb1: {  	v53 =	vld [tilespmem:s20+$0x10];
	v3 =	vperm.xlane v47, v2;
	[tilespmem:s0+$0xFFFFFFF0] =	vst v9  }
0xb2: {  	v52 =	vnsel vm0, $0x0, v7;
	[tilespmem:s0+$0xFFFFFFE0] =	vst v10  }
0xb3: {  	v58 =	vld [tilespmem:s20+$0xFFFFFFD0];
	v54 =	vpop (erf);
	v51 =	vmul.f32 v46, v7;
	v56 =	vmul.f32 v50, v3;
	v3 =	vnsel vm0, $0x0, v3;
	[tilespmem:s0+$0x50] =	vst v52  }
0xb4: {  	v6 =	vperm.xlane v54, v2;
	[tilespmem:s0+$0xFFFFFF90] =	vst v3  }
0xb5: {  	[tilespmem:s0+$0x40] =	vst v51  }
0xb6: {  	v3 =	vperm.xlane v44, v2;
	v60 =	vnsel vm0, $0x0, v6;
	v63 =	vmul.f32 v53, v6;
	[tilespmem:s0+$0xFFFFFF80] =	vst v56  }
0xb7: {  	[tilespmem:s0+$0x30] =	vst v60  }
0xb8: {  	s31 =	sadd.s32 $0x1, s31;
	v62 =	vnsel vm0, $0x0, v3;
	v3 =	vmul.f32 v58, v3;
	[tilespmem:s0+$0x20] =	vst v63  }
0xb9: {  	p0 =	sne.s32 s31, $0x51;
	[tilespmem:s0+$0xFFFFFFB0] =	vst v62  }
.Ltmp2:
0xba: {  	[tilespmem:s0+$0xFFFFFFA0] =	vst v3;
	(pc) =	sbr.rel @p0 .LBB2_4-.Ltmp2, $4  }
0xbb: {  	[spmem:s2] =	stream.indirect.scatter.add.f32 [tilespmem:s21], [sflag:$0x4], $0x20, s1, s22, $0xb8;
	[tilespmem:$0xC900] =	vst v63  }
0xbc: {  	_ =	swait.ge [sflag:s19], $0x1000  }
0xbd: {  	[sflag:s19] =	ssyncset.done $0x0  }
0xbe: {  	[sflag:s19] =	ssyncadd.s32 $0xFFFFF000  }
0xbf: {  	s0 =	stileid.u32  }
0xc0: {  	[bflag:$0x0] =	sbarrier.arrive $0xFFFF;
	s0 =	sshll.u32 s0, $0x6  }
0xc1: {  	s1 =	sshrl.u32 s8, $0x3;
	s3 =	rddreg [dreg:$0x5];
	s0 =	sor.u32 $0x1C04, s0  }
0xc2: {  	[hbm:s3], [sflag:s0] =	dma.local [spmem:s1], $0x200  }
0xc3: {  	_ =	swait.ge [sflag:s19], $0x200  }
0xc4: {  	[sflag:s19] =	ssyncset.done $0x0  }
0xc5: {  	s7 =	sshrl.u32 s9, $0x3;
	s13 =	rddreg [dreg:$0x6];
	[sflag:s19] =	ssyncadd.s32 $0xFFFFFE00  }
0xc6: {  	[hbm:s13], [sflag:s0] =	dma.local [spmem:s7], $0x200  }
0xc7: {  	_ =	swait.ge [sflag:s19], $0x200  }
0xc8: {  	[sflag:s19] =	ssyncset.done $0x0  }
0xc9: {  	s14 =	sshrl.u32 s10, $0x3;
	[sflag:s19] =	ssyncadd.s32 $0xFFFFFE00  }
0xca: {  	[hbm:s15], [sflag:s0] =	dma.local [spmem:s14], $0x200  }
0xcb: {  	_ =	swait.ge [sflag:s19], $0x200  }
0xcc: {  	[sflag:s19] =	ssyncset.done $0x0  }
0xcd: {  	s20 =	sshrl.u32 s11, $0x3;
	[sflag:s19] =	ssyncadd.s32 $0xFFFFFE00  }
0xce: {  	[hbm:s16], [sflag:s0] =	dma.local [spmem:s20], $0x200  }
0xcf: {  	s30 =	sadd.s32 $0x1, s30;
	_ =	swait.ge [sflag:s19], $0x200  }
0xd0: {  	p0 =	sne.s32 s30, s18;
	[sflag:s19] =	ssyncset.done $0x0  }
.Ltmp3:
0xd1: {  	s31 =	sshrl.u32 s12, $0x3;
	[sflag:s19] =	ssyncadd.s32 $0xFFFFFE00;
	(pc) =	sbr.rel @p0 .LBB2_1-.Ltmp3, $4  }
0xd2: {  	[hbm:s17], [sflag:s0] =	dma.local [spmem:s31], $0x200  }
0xd3: {  	_ =	swait.ge [sflag:s19], $0x200  }
0xd4: {  	[sflag:s19] =	ssyncset.done $0x0  }
0xd5: {  	[sflag:s19] =	ssyncadd.s32 $0xFFFFFE00  }
0xd6: {  	_ =	sfence.sel $0x180000  }
0xd7: {  	[bflag:$0x0] =	sbarrier.arrive $0xFFFF  }
0xd8: {  	_ =	strace $0x9000004A  }
0xd9: {  	s0 =	stileid.u32;
	[bflag:$0x2] =	sbarrier.arrive $0xFFFF  }
0xda: {  	p0 =	sne.s32 s0, $0x0;
	s0 =	rddreg [dreg:$0x2]  }
0xdb: {  	s0 =	sadd.s32 @!p0 $0x100000, s0  }
0xdc: {  	[sflag:s0] =	ssyncadd.tile.s32 @!p0 $0x1;
	_ =	shalt  }
.Lfunc_end2:
_tile_overlayer_lowered:
.L_overlay_start_2:
0xdd: {  	(tag) =	ssettag $0x2  }
0xde: {  	s0 =	rddreg [dreg:$0x0];
	s2 =	stileid.u32  }
0xdf: {  	s1 =	rddreg [dreg:$0x1];
	p0 =	sne.s32 s2, $0x0  }
0xe0: {  	s3 =	rddreg [dreg:$0x2];
	[bflag:$0x3] =	sbarrier.arrive $0xFFFF;
	s2 =	simm.s32 @!p0 $0x1C04  }
0xe1: {  	[timem:s3], [sflag:s2] =	dma.local @!p0 [hbm:s0], s1  }
0xe2: {  	s0 =	simm.s32 @!p0 $0x4  }
0xe3: {  	_ =	swait.ge @!p0 [sflag:s0], s1  }
0xe4: {  	s1 =	ssub.s32 @!p0 $0x0, s1;
	[sflag:s0] =	ssyncset.done @!p0 $0x0  }
0xe5: {  	[sflag:s0] =	ssyncadd.s32 @!p0 s1  }
0xe6: {  	[bflag:$0x3] =	sbarrier.arrive $0xFFFF  }
0xe7: {  	_ =	shalt  }

// kernel: kernel.7.cloned.1.call-start
scs
__scs_entry_jumppad:
0x0: {  	(pc) =	sbr.rel $0x88, $3  }
0x1: {  	(tag) =	ssettag $0x0;
	lr =	simm.s32 $0x1  }
0x2: {  	[smem:$0x3F97] =	sst lr;
	_ =	strace $0xD0000000  }
0x3: {  	_ = 	snop  }
0x4: {  	_ = 	snop  }
0x5: {  	_ = 	snop  }
0x6: {  	_ = 	snop  }
0x7: {  	_ = 	snop  }
__scs_overlays_trampoline_lowered:
0x8: {  	[smem:$0x3FA6] =	sst s0  }
0x9: {  	[smem:$0x3FA7] =	sst s1  }
0xa: {  	[smem:$0x3FA8] =	sst s2  }
0xb: {  	[smem:$0x3FA9] =	sst s3  }
0xc: {  	[smem:$0x3FAA] =	sst s4  }
0xd: {  	[smem:$0x3FAB] =	sst s5  }
0xe: {  	[smem:$0x3FAC] =	sst s6  }
0xf: {  	[smem:$0x3FAD] =	sst s7  }
0x10: {  	[smem:$0x3FAE] =	sst s8  }
0x11: {  	[smem:$0x3FAF] =	sst s9;
	s0 =	simm.s32 @!p0 $0x0  }
0x12: {  	s1 =	sld [smem:$0x3F95];
	s0 =	simm.s32 @p0 $0x1  }
0x13: {  	[smem:$0x3FB0] =	sst s0;
	s0 =	simm.s32 @!p1 $0x0  }
0x14: {  	s2 =	sld [smem:$0x3F94];
	s0 =	simm.s32 @p1 $0x1  }
0x15: {  	[smem:$0x3FB1] =	sst s0;
	s0 =	simm.s32 @!p2 $0x0  }
0x16: {  	s3 =	sld [smem:$0x3FDB];
	s0 =	simm.s32 @p2 $0x1  }
0x17: {  	s4 =	simm.s32 $0x1BF5;
	[smem:$0x3FB3] =	sst s0  }
0x18: {  	s0 =	sld [smem:$0x3F96];
	_ =	swait.ge [sflag:s4], $0x0  }
0x19: {  	s7 =	sld [smem:$0x3F97]  }
0x1a: {  	s8 =	sadd.s32 $0xFFFFE003, lr  }
0x1b: {  	s9 =	sadd.s32 $0xFFFFFEF7, lr;
	s5 =	simm.s32 $0xFFFFFFFF;
	p2 =	slt.u32 s8, $0xFFFFF086  }
0x1c: {  	p1 =	slt.u32 s9, $0xF7A;
	s5 =	simm.s32 @!p2 $0x0  }
0x1d: {  	s5 =	simm.s32 @p1 $0x1;
	p0 =	seq.s32 s7, s2  }
0x1e: {  	s7 =	smul.u32 @!p0 $0xF7A, s2;
	p2 =	seq.s32 @!p0 s5, $0x0  }
0x1f: {  	s9 =	smul.u32 $0xF7A, s1;
	s8 =	simm.s32 @!p0 $0x1BF5;
	p2 =	por !p2, p0  }
0x20: {  	[sflag:s8] =	ssyncset.s32 @!p0 $0xFFFFF086;
	s6 =	sadd.s32 @!p0 s3, s7;
	s7 =	simm.s32 @!p0 $0x108  }
0x21: {  	s3 =	sadd.s32 s3, s9;
	s6 =	sadd.s32 @!p0 $0x88, s6;
	s7 =	simm.s32 @p2 $0x1082  }
0x22: {  	[simem:s7], [sflag:s8] =	dma.local @!p0 [hbm:s6], $0xF7A  }
0x23: {  	s9 =	sor.u32 $0xD0000000, s2;
	s6 =	simm.s32 $0x108;
	_ =	swait.ge @!p0 [sflag:s8], $0x0  }
0x24: {  	s3 =	sadd.s32 $0x88, s3;
	s6 =	simm.s32 @!p1 $0x1082;
	[sflag:s4] =	ssyncset.s32 $0xFFFFF086  }
0x25: {  	[simem:s6], [sflag:s4] =	dma.local [hbm:s3], $0xF7A  }
0x26: {  	[smem:$0x3F97] =	sst s1;
	(tag) =	ssettag s2;
	_ =	strace s9  }
0x27: {  	s1 =	sld [smem:$0x3FA7]  }
0x28: {  	s2 =	sld [smem:$0x3FA8]  }
0x29: {  	s4 =	sld [smem:$0x3FAA]  }
0x2a: {  	p0 =	seq.s32 s5, $0x0;
	s5 =	sld [smem:$0x3FAB]  }
0x2b: {  	s6 =	sld [smem:$0x3FAC]  }
0x2c: {  	s7 =	sld [smem:$0x3FAD]  }
0x2d: {  	s3 =	simm.s32 $0x108;
	s8 =	sld [smem:$0x3FAE]  }
0x2e: {  	s3 =	simm.s32 @!p0 $0x1082;
	s9 =	sld [smem:$0x3FAF]  }
0x2f: {  	lr =	sadd.s32 s0, s3;
	s0 =	sld [smem:$0x3FA6]  }
0x30: {  	s3 =	sld [smem:$0x3FA9]  }
0x31: {  	[smem:$0x3FB2] =	sst s10  }
0x32: {  	s10 =	sld [smem:$0x3FB0];
	_ =	sdelay $0x3  }
0x33: {  	p0 =	seq.s32 s10, $0x1;
	s10 =	sld [smem:$0x3FB2];
	_ =	sdelay $0x3  }
0x34: {  	[smem:$0x3FB2] =	sst s10  }
0x35: {  	s10 =	sld [smem:$0x3FB1];
	_ =	sdelay $0x3  }
0x36: {  	p1 =	seq.s32 s10, $0x1;
	s10 =	sld [smem:$0x3FB2];
	_ =	sdelay $0x3  }
0x37: {  	[smem:$0x3FB2] =	sst s10  }
0x38: {  	s10 =	sld [smem:$0x3FB3]  }
0x39: {  	_ = 	snop;
	(pc) =	sbr.ind lr, $3  }
0x3a: {  	_ = 	snop  }
0x3b: {  	_ = 	snop  }
0x3c: {  	p2 =	seq.s32 s10, $0x1;
	s10 =	sld [smem:$0x3FB2]  }
0x3d: {  	_ =	shalt  }
0x3e: {  	_ =	shalt  }
0x3f: {  	_ =	shalt  }
0x40: {  	_ =	shalt  }
0x41: {  	_ =	shalt  }
0x42: {  	_ =	shalt  }
0x43: {  	_ =	shalt  }
0x44: {  	_ =	shalt  }
0x45: {  	_ =	shalt  }
0x46: {  	_ =	shalt  }
0x47: {  	_ =	shalt  }
0x48: {  	_ =	shalt  }
0x49: {  	_ =	shalt  }
0x4a: {  	_ =	shalt  }
0x4b: {  	_ =	shalt  }
0x4c: {  	_ =	shalt  }
0x4d: {  	_ =	shalt  }
0x4e: {  	_ =	shalt  }
0x4f: {  	_ =	shalt  }
0x50: {  	_ =	shalt  }
0x51: {  	_ =	shalt  }
0x52: {  	_ =	shalt  }
0x53: {  	_ =	shalt  }
0x54: {  	_ =	shalt  }
0x55: {  	_ =	shalt  }
0x56: {  	_ =	shalt  }
0x57: {  	_ =	shalt  }
0x58: {  	_ =	shalt  }
0x59: {  	_ =	shalt  }
0x5a: {  	_ =	shalt  }
0x5b: {  	_ =	shalt  }
0x5c: {  	_ =	shalt  }
0x5d: {  	_ =	shalt  }
0x5e: {  	_ =	shalt  }
0x5f: {  	_ =	shalt  }
0x60: {  	_ =	shalt  }
0x61: {  	_ =	shalt  }
0x62: {  	_ =	shalt  }
0x63: {  	_ =	shalt  }
0x64: {  	_ =	shalt  }
0x65: {  	_ =	shalt  }
0x66: {  	_ =	shalt  }
0x67: {  	_ =	shalt  }
0x68: {  	_ =	shalt  }
0x69: {  	_ =	shalt  }
0x6a: {  	_ =	shalt  }
0x6b: {  	_ =	shalt  }
0x6c: {  	_ =	shalt  }
0x6d: {  	_ =	shalt  }
0x6e: {  	_ =	shalt  }
0x6f: {  	_ =	shalt  }
0x70: {  	_ =	shalt  }
0x71: {  	_ =	shalt  }
0x72: {  	_ =	shalt  }
0x73: {  	_ =	shalt  }
0x74: {  	_ =	shalt  }
0x75: {  	_ =	shalt  }
0x76: {  	_ =	shalt  }
0x77: {  	_ =	shalt  }
0x78: {  	_ =	shalt  }
0x79: {  	_ =	shalt  }
0x7a: {  	_ =	shalt  }
0x7b: {  	_ =	shalt  }
0x7c: {  	_ =	shalt  }
0x7d: {  	_ =	shalt  }
0x7e: {  	_ =	shalt  }
0x7f: {  	_ =	shalt  }
0x80: {  	_ =	shalt  }
0x81: {  	_ =	shalt  }
0x82: {  	_ =	shalt  }
0x83: {  	_ =	shalt  }
0x84: {  	_ =	shalt  }
0x85: {  	_ =	shalt  }
0x86: {  	_ =	shalt  }
0x87: {  	_ =	shalt  }
.Lfunc_end0:
.L_simem_size_0:
called_computation_lowered:
.L_overlay_start_0:
0x88: {  	s2 =	sld [smem:$0x3FD9]  }
0x89: {  	s3 =	sld [smem:$0x3FFE];
	_ =	sdelay $0x1  }
0x8a: {  	s1 =	srdreg.scid  }
0x8b: {  	s0 =	sand.u32 $0x1, s1  }
0x8c: {  	s16 =	sshll.u32 s0, $0xA;
	s2 =	sadd.s32 s3, s2  }
0x8d: {  	s2 =	sadd.s32 s2, s16  }
0x8e: {  	[smem:$0x3FBE] =	sst s2  }
0x8f: {  	_ = 	snop  }
0x90: {  	(tm) =	ssettm $0x1  }
0x91: {  	s17 =	sld [smem:$0x3FFB];
	_ =	sdelay $0x3  }
0x92: {  	_ =	strace s17  }
0x93: {  	s2 =	sld [smem:$0x3FFC];
	_ =	sdelay $0x3  }
0x94: {  	_ =	strace s2  }
0x95: {  	s2 =	sld [smem:$0x3FFD];
	_ =	sdelay $0x3  }
0x96: {  	_ =	strace s2  }
0x97: {  	_ =	strace $0x8FFFFFFF  }
0x98: {  	s18 =	sld [smem:$0x3FDB];
	_ =	sdelay $0x1  }
0x99: {  	s19 =	simm.s32 $_scs_section_size  }
0x9a: {  	s4 =	simm.s32 $_size__tile_overlayer_lowered;
	s5 =	simm.s32 $_tile_overlayer_lowered  }
0x9b: {  	s22 =	simm.s32 $0x1BFF;
	s21 =	sshll.u32 s5, $0x1;
	s2 =	sadd.s32 s19, s18  }
0x9c: {  	s6 =	simm.s32 $0x0;
	s20 =	sshll.u32 s4, $0x1;
	s4 =	sadd.s32 s21, s2  }
0x9d: {  	[timem:s6], [sflag:s22] =	dma.local [hbm:s4], s20  }
0x9e: {  	_ =	swait.ge [sflag:s22], s20  }
0x9f: {  	s3 =	ssub.s32 $0x0, s20;
	[sflag:s22] =	ssyncset.done $0x0  }
0xa0: {  	[sflag:s22] =	ssyncadd.s32 s3;
	_ =	sdelay $0x1  }
0xa1: {  	s23 =	simm.s32 $0x1B8B  }
0xa2: {  	_ =	swait.ge [sflag:s23], $0x1  }
0xa3: {  	[sflag:s23] =	ssyncset.done $0x0  }
0xa4: {  	s25 =	simm.s32 $0x1B8E;
	s24 =	sld [smem:$0x3FFE];
	[sflag:s23] =	ssyncadd.s32 $0xFFFFFFFF  }
0xa5: {  	s26 =	simm.s32 $execute0_lowered;
	[smem:$0x3FD2] =	sst s25  }
0xa6: {  	s4 =	sshll.u32 s26, $0x1;
	_ =	strace $0x80000046;
	[dreg:$0x1] =	wrdreg $0xFFFFFFFF  }
0xa7: {  	s28 =	simm.s32 $_size_execute0_lowered;
	s2 =	sadd.s32 s2, s4;
	[dreg:$0x0] =	wrdreg $0x0  }
0xa8: {  	s4 =	sshll.u32 s28, $0x1;
	[dreg:$0x2] =	wrdreg s2  }
0xa9: {  	[dreg:$0x3] =	wrdreg s4  }
0xaa: {  	[dreg:$0x4] =	wrdreg $0xC0  }
0xab: {  	_ =	task [dreg:s6], $0x5FFFF  }
0xac: {  	[dreg:$0x1] =	wrdreg $0xFFFFFFFF  }
0xad: {  	[dreg:$0x0] =	wrdreg $0x60  }
0xae: {  	[dreg:$0x2] =	wrdreg s24  }
0xaf: {  	[dreg:$0x3] =	wrdreg $0xA9000  }
0xb0: {  	[dreg:$0x4] =	wrdreg $0x9  }
0xb1: {  	_ =	task.clear_ibuf [dreg:s6], $0x5FFFF;
	_ =	strace $0x90000046  }
0xb2: {  	s29 =	simm.s32 $0x9;
	_ =	strace $0x80000048  }
0xb3: {  	_ =	swait.ge [sflag:s29], $0x1  }
0xb4: {  	[sflag:s29] =	ssyncadd.s32 $0xFFFFFFFF  }
0xb5: {  	_ =	strace $0x90000048  }
0xb6: {  	_ =	sfence  }
0xb7: {  	s30 =	sld [smem:$0x0];
	_ =	sdelay $0x2  }
0xb8: {  	s31 =	sshll.u32 s1, $0xD;
	s1 =	sshrl.u32 s1, $0x2  }
0xb9: {  	s3 =	sand.u32 $0x4000, s31;
	s1 =	sadd.s32 s1, s30  }
0xba: {  	s0 =	sor.u32 s3, s0;
	s1 =	sshll.u32 s1, $0x11  }
0xbb: {  	s0 =	sor.u32 s1, s0  }
0xbc: {  	s0 =	sadd.s32 $0x8F2B, s0  }
0xbd: {  	[sflag:s0] =	ssyncadd.remote.s32 $0x1  }
0xbe: {  	_ =	sfence.sel $0xFFFF  }
0xbf: {  	[dreg:$0x0] =	wrdreg $0xFFFFFFFF;
	(pc) =	sbr.abs _section_cstart, $3  }
0xc0: {  	[dreg:$0x1] =	wrdreg $0xFFFFFFFF  }
0xc1: {  	_ =	task.clear_ibuf [dreg:s6], $0x2FFFF;
	_ =	strace $0x9FFFFFFF  }
0xc2: {  	(tm) =	ssettm $0x7FFFFFFF  }
0xc3: {  	_ =	shalt  }
tec
execute0_lowered:
.L_overlay_start_1:
0x0: {  	(tag) =	ssettag $0x1  }
0x1: {  	s0 =	srdreg.scid;
	s1 =	rddreg [dreg:$0x0]  }
0x2: {  	s5 =	stileid.u32;
	s2 =	rddreg [dreg:$0x1]  }
0x3: {  	s4 =	simm.s32 $0x0;
	s19 =	simm.s32 $0x4;
	s21 =	simm.s32 $0x8100  }
0x4: {  	s22 =	simm.s32 $0x80;
	s28 =	simm.s32 $0x2;
	s29 =	simm.s32 $0x3  }
0x5: {  	s30 =	simm.s32 $0x0;
	s0 =	sand.u32 $0x1, s0;
	[smem:$0x7FF] =	sst s4  }
0x6: {  	s4 =	sadd.s32 $0x14600, s1;
	s12 =	smul.u32 $0xC800, s5;
	s3 =	sshll.u32 s0, $0x4  }
0x7: {  	_ =	strace $0x80000047;
	s6 =	ssub.s32 $0x2, s0;
	s0 =	smul.u32 $0xC8000, s0  }
0x8: {  	s3 =	sor.u32 s5, s3;
	s7 =	sshrl.u32 s6, $0x1;
	s5 =	sadd.s32 $0x28600, s1  }
0x9: {  	s8 =	sadd.s32 s12, s2;
	s24 =	sadd.s32 $0x2800, s12;
	s25 =	sadd.s32 $0x5000, s12  }
0xa: {  	s13 =	sadd.s32 $0x7800, s12;
	s15 =	sadd.s32 $0xA000, s12;
	s3 =	smul.u32 $0x510, s3  }
0xb: {  	s6 =	ssub.s32 s6, s7;
	s9 =	sadd.s32 s24, s2;
	s10 =	sadd.s32 s25, s2  }
0xc: {  	s11 =	sadd.s32 s13, s2;
	s14 =	sadd.s32 s12, s0;
	s12 =	sadd.s32 s15, s2  }
0xd: {  	s26 =	sadd.s32 s0, s25;
	s31 =	sadd.s32 s0, s13;
	s25 =	simm.s32 $0x5900  }
0xe: {  	v0 =	vimm.s32 $0xFEDCBA98;
	s14 =	sshrl.u32 s14, $0x3;
	s7 =	sshrl.u32 s31, $0x3;
	s3 =	sadd.s32 s3, s1  }
0xf: {  	v1 =	vimm.s32 $0x76543210;
	v0 =	vunpack.c.l.s4.s8 v0;
	s18 =	smax.u32 s6, $0x1;
	s1 =	sadd.s32 $0x2D600, s1;
	s23 =	sadd.s32 $0xA400, s3  }
0x10: {  	v1 =	vunpack.c.l.s4.s8 v1;
	s3 =	sadd.s32 $0x200, s3;
	s14 =	sadd.s32 s1, s14;
	[dreg:$0x3] =	wrdreg s23  }
0x11: {  	v2 =	vunpack.c.0.s8.s32 v0;
	s16 =	sadd.s32 s1, s7;
	[dreg:$0x4] =	wrdreg s3;
	s3 =	sadd.s32 s0, s24  }
0x12: {  	v1 =	vunpack.c.0.s8.s32 v1;
	[dreg:$0x5] =	wrdreg s14;
	s0 =	sadd.s32 s0, s15;
	s3 =	sshrl.u32 s3, $0x3  }
0x13: {  	v3 =	vlaneseq.u32;
	vm0 =	vmmov $0xff;
	v2 =	vand.u32 $0xF, v2;
	s23 =	simm.s32 $0x6100;
	s24 =	simm.s32 $0x5100;
	s3 =	sadd.s32 s1, s3  }
0x14: {  	v0 =	vimm.f32 $0.0e+00;
	v1 =	vcombine.low v2, v1;
	v2 =	vshrl.u32 v3, $0x3;
	s0 =	sshrl.u32 s0, $0x3;
	[dreg:$0x6] =	wrdreg s3;
	s3 =	sshrl.u32 s26, $0x3  }
0x15: {  	v3 =	vor.u32 $0x2, v2;
	v4 =	vor.u32 $0x4, v2;
	v5 =	vor.u32 $0x6, v2;
	s17 =	sadd.s32 s1, s0;
	s26 =	simm.s32 $0x1;
	s15 =	sadd.s32 s1, s3  }
.LBB2_1:
0x16: {  	s0 =	simm.s32 $0x0;
	s1 =	rddreg [dreg:$0x3]  }
0x17: {  	[tilespmem:s0], [sflag:$0x4] =	stream.linear.gather [hbm4b:s1+s0], $0x2880, $0x38;
	[tilespmem:$0x17100] =	vst v63  }
0x18: {  	_ =	swait.ge [sflag:s19], $0x2880  }
0x19: {  	[sflag:s19] =	ssyncset.done $0x0  }
0x1a: {  	s3 =	simm.s32 $0x2880;
	s31 =	rddreg [dreg:$0x4];
	[sflag:s19] =	ssyncadd.s32 $0xFFFFD780  }
0x1b: {  	[tilespmem:s3], [sflag:$0x4] =	stream.linear.gather [hbm4b:s31+s0], $0x2880, $0x38;
	[tilespmem:$0x17100] =	vst v63  }
0x1c: {  	_ =	swait.ge [sflag:s19], $0x2880  }
0x1d: {  	[sflag:s19] =	ssyncset.done $0x0  }
0x1e: {  	s0 =	simm.s32 $0x81A0;
	[sflag:s19] =	ssyncadd.s32 $0xFFFFD780  }
0x1f: {  	[tilespmem:s0+$0xFFFFFF60] =	vst v0  }
0x20: {  	[tilespmem:s0+$0x90] =	vst v0  }
0x21: {  	[tilespmem:s0+$0x80] =	vst v0  }
0x22: {  	[tilespmem:s0+$0x70] =	vst v0  }
0x23: {  	[tilespmem:s0+$0x60] =	vst v0  }
0x24: {  	[tilespmem:s0+$0x50] =	vst v0  }
0x25: {  	[tilespmem:s0+$0x40] =	vst v0  }
0x26: {  	[tilespmem:s0+$0x30] =	vst v0  }
0x27: {  	[tilespmem:s0+$0x20] =	vst v0  }
0x28: {  	[tilespmem:s0+$0x10] =	vst v0  }
0x29: {  	[tilespmem:s0+$0x0] =	vst v0  }
0x2a: {  	[tilespmem:s0+$0xFFFFFFF0] =	vst v0  }
0x2b: {  	[tilespmem:s0+$0xFFFFFFE0] =	vst v0  }
0x2c: {  	[tilespmem:s0+$0xFFFFFFD0] =	vst v0  }
0x2d: {  	[tilespmem:s0+$0xFFFFFFC0] =	vst v0  }
0x2e: {  	[tilespmem:s0+$0xFFFFFFB0] =	vst v0  }
0x2f: {  	[tilespmem:s0+$0xFFFFFFA0] =	vst v0  }
0x30: {  	[tilespmem:s0+$0xFFFFFF90] =	vst v0  }
0x31: {  	s1 =	simm.s32 $0x0;
	[tilespmem:s0+$0xFFFFFF80] =	vst v0  }
.LBB2_2:
0x32: {  	s1 =	sadd.s32 $0x4, s1;
	[tilespmem:s0+$0xFFFFFF70] =	vst v0;
	s0 =	sadd.s32 $0x140, s0  }
0x33: {  	[tilespmem:s0+$0xFFFFFF60] =	vst v0;
	p0 =	slt.u32 s1, $0x7C  }
0x34: {  	[tilespmem:s0+$0x90] =	vst v0  }
0x35: {  	[tilespmem:s0+$0x80] =	vst v0  }
0x36: {  	[tilespmem:s0+$0x70] =	vst v0  }
0x37: {  	[tilespmem:s0+$0x60] =	vst v0  }
0x38: {  	[tilespmem:s0+$0x50] =	vst v0  }
0x39: {  	[tilespmem:s0+$0x40] =	vst v0  }
0x3a: {  	[tilespmem:s0+$0x30] =	vst v0  }
0x3b: {  	[tilespmem:s0+$0x20] =	vst v0  }
0x3c: {  	[tilespmem:s0+$0x10] =	vst v0  }
0x3d: {  	[tilespmem:s0+$0x0] =	vst v0  }
0x3e: {  	[tilespmem:s0+$0xFFFFFFF0] =	vst v0  }
0x3f: {  	[tilespmem:s0+$0xFFFFFFE0] =	vst v0  }
0x40: {  	[tilespmem:s0+$0xFFFFFFD0] =	vst v0  }
.Ltmp0:
0x41: {  	[tilespmem:s0+$0xFFFFFFC0] =	vst v0;
	(pc) =	sbr.rel @p0 .LBB2_2-.Ltmp0, $4  }
0x42: {  	[tilespmem:s0+$0xFFFFFFB0] =	vst v0  }
0x43: {  	[tilespmem:s0+$0xFFFFFFA0] =	vst v0  }
0x44: {  	[tilespmem:s0+$0xFFFFFF90] =	vst v0  }
0x45: {  	[tilespmem:s0+$0xFFFFFF80] =	vst v0  }
0x46: {  	[tilespmem:s0+$0xFFFFFF70] =	vst v0  }
0x47: {  	[spmem:s8] =	stream.linear.scatter [tilespmem:s21], [sflag:$0x4], $0x2800, $0x38;
	[tilespmem:$0x17100] =	vst v63  }
0x48: {  	_ =	swait.ge [sflag:s19], $0x2800  }
0x49: {  	[sflag:s19] =	ssyncset.done $0x0  }
0x4a: {  	[sflag:s19] =	ssyncadd.s32 $0xFFFFD800  }
0x4b: {  	[spmem:s9] =	stream.linear.scatter [tilespmem:s21], [sflag:$0x4], $0x2800, $0x38;
	[tilespmem:$0x17100] =	vst v63  }
0x4c: {  	_ =	swait.ge [sflag:s19], $0x2800  }
0x4d: {  	[sflag:s19] =	ssyncset.done $0x0  }
0x4e: {  	[sflag:s19] =	ssyncadd.s32 $0xFFFFD800  }
0x4f: {  	[spmem:s10] =	stream.linear.scatter [tilespmem:s21], [sflag:$0x4], $0x2800, $0x38;
	[tilespmem:$0x17100] =	vst v63  }
0x50: {  	_ =	swait.ge [sflag:s19], $0x2800  }
0x51: {  	[sflag:s19] =	ssyncset.done $0x0  }
0x52: {  	[sflag:s19] =	ssyncadd.s32 $0xFFFFD800  }
0x53: {  	[spmem:s11] =	stream.linear.scatter [tilespmem:s21], [sflag:$0x4], $0x2800, $0x38;
	[tilespmem:$0x17100] =	vst v63  }
0x54: {  	_ =	swait.ge [sflag:s19], $0x2800  }
0x55: {  	[sflag:s19] =	ssyncset.done $0x0  }
0x56: {  	[sflag:s19] =	ssyncadd.s32 $0xFFFFD800  }
0x57: {  	[spmem:s12] =	stream.linear.scatter [tilespmem:s21], [sflag:$0x4], $0x2800, $0x38;
	[tilespmem:$0x17100] =	vst v63  }
0x58: {  	_ =	swait.ge [sflag:s19], $0x2800  }
0x59: {  	[sflag:s19] =	ssyncset.done $0x0  }
0x5a: {  	[sflag:s19] =	ssyncadd.s32 $0xFFFFD800  }
0x5b: {  	s31 =	simm.s32 $0x0;
	[bflag:$0x0] =	sbarrier.arrive $0xFFFF  }
.LBB2_4:
0x5c: {  	s0 =	sshll.u32 s31, $0x7  }
0x5d: {  	[tilespmem:s23], [sflag:$0x1] =	stream.indirect.gather [hbm4b:s4+s22], $0x40, s0, s22, $0xb8;
	[tilespmem:$0x17100] =	vst v63  }
0x5e: {  	_ = 	snop  }
0x5f: {  	[tilespmem:s24], [sflag:$0x2] =	stream.indirect.gather [hbm4b:s5+s22], $0x10, s0, s22, $0xb8;
	[tilespmem:$0x17100] =	vst v63  }
0x60: {  	s1 =	sadd.s32 $0x2880, s0  }
0x61: {  	[tilespmem:s25], [sflag:$0x3] =	stream.indirect.gather [hbm4b:s5+s22], $0x10, s1, s22, $0xb8;
	[tilespmem:$0x17100] =	vst v63  }
0x62: {  	_ =	swait.ge [sflag:s26], $0x2000  }
0x63: {  	[sflag:s26] =	ssyncset.done $0x0  }
0x64: {  	[sflag:s26] =	ssyncadd.s32 $0xFFFFE000  }
0x65: {  	_ =	swait.ge [sflag:s28], $0x800  }
0x66: {  	[sflag:s28] =	ssyncset.done $0x0  }
0x67: {  	[sflag:s28] =	ssyncadd.s32 $0xFFFFF800  }
0x68: {  	_ =	swait.ge [sflag:s29], $0x800  }
0x69: {  	[sflag:s29] =	ssyncset.done $0x0  }
0x6a: {  	s20 =	simm.s32 $0x5940;
	[sflag:s29] =	ssyncadd.s32 $0xFFFFF800  }
0x6b: {  	v6 =	vld [tilespmem:s20+$0x30]  }
0x6c: {  	s3 =	simm.s32 $0x5140  }
0x6d: {  	v7 =	vld [tilespmem:s3+$0x30];
	_ =	sdelay $0x2  }
0x6e: {  	v6 =	vperm.xlane v6, v1;
	_ =	sdelay $0x1  }
0x6f: {  	v6 =	vadd.f32 v6, v7;
	_ =	sdelay $0x1  }
0x70: {  	v8 =	vld [tilespmem:s20+$0x20];
	v7 =	vmul.f32 $2.000000030e-01, v6  }
0x71: {  	v9 =	vld [tilespmem:s20+$0x10];
	vm1 =	vgt.f32 v6, $0.0e+00  }
0x72: {  	v6 =	vsel vm1, v6, v7;
	v7 =	vld [tilespmem:s3+$0x20]  }
0x73: {  	v10 =	vld [tilespmem:s3+$0xFFFFFFF0];
	v6 =	vmul.f32 $1.442695020e+00, v6  }
0x74: {  	v11 =	vld [tilespmem:s20+$0xFFFFFFF0]  }
0x75: {  	v8 =	vperm.xlane v8, v1;
	(erf) = vpow2.f32 v6;
	v6 =	vld [tilespmem:s3+$0x10]  }
0x76: {  	v16 =	vld [tilespmem:s20+$0xFFFFFFE0]  }
0x77: {  	v13 =	vld [tilespmem:s3+$0xFFFFFFE0];
	v7 =	vadd.f32 v8, v7  }
0x78: {  	v14 =	vld [tilespmem:s20+$0xFFFFFFD0];
	v9 =	vperm.xlane v9, v1  }
0x79: {  	v12 =	vmul.f32 $2.000000030e-01, v7  }
0x7a: {  	v11 =	vperm.xlane v11, v1;
	v8 =	vld [tilespmem:s20+$0xFFFFFFC0];
	vm1 =	vgt.f32 v7, $0.0e+00;
	v9 =	vadd.f32 v9, v6  }
0x7b: {  	v16 =	vperm.xlane v16, v1;
	v6 =	vsel vm1, v7, v12  }
0x7c: {  	v18 =	vld [tilespmem:s3+$0xFFFFFFD0];
	v10 =	vadd.f32 v11, v10;
	v12 =	vmul.f32 $1.442695020e+00, v6;
	v15 =	vmul.f32 $2.000000030e-01, v9  }
0x7d: {  	v14 =	vperm.xlane v14, v1;
	v11 =	vadd.f32 v16, v13;
	v7 =	vld [tilespmem:s20+$0x0];
	vm1 =	vgt.f32 v9, $0.0e+00  }
0x7e: {  	v13 =	vmul.f32 $2.000000030e-01, v10;
	v9 =	vsel vm1, v9, v15;
	(erf) = vpow2.f32 v12;
	v12 =	vld [tilespmem:s3+$0xFFFFFFC0]  }
0x7f: {  	v19 =	vld [tilespmem:s3+$0x0];
	v8 =	vperm.xlane v8, v1;
	v17 =	vpop (erf);
	vm1 =	vgt.f32 v10, $0.0e+00;
	v9 =	vmul.f32 $1.442695020e+00, v9  }
0x80: {  	v6 =	vperm.xlane v17, v5;
	v15 =	vperm.xlane v17, v2;
	v10 =	vsel vm1, v10, v13  }
0x81: {  	v13 =	vmul.f32 $2.000000030e-01, v11;
	(erf) = vpow2.f32 v9;
	v9 =	vadd.f32 v14, v18  }
0x82: {  	s7 =	simm.s32 $0x59C0;
	v34 =	vperm.xlane v17, v4;
	v7 =	vperm.xlane v7, v1  }
0x83: {  	v30 =	vperm.xlane v17, v3;
	v14 =	vld [tilespmem:s7+$0x30];
	v8 =	vadd.f32 v8, v12;
	v12 =	vmul.f32 $2.000000030e-01, v9  }
0x84: {  	v10 =	vmul.f32 $1.442695020e+00, v10;
	v7 =	vadd.f32 v7, v19;
	vm1 =	vgt.f32 v9, $0.0e+00  }
0x85: {  	s13 =	simm.s32 $0x51C0;
	v9 =	vsel vm1, v9, v12;
	vm1 =	vgt.f32 v11, $0.0e+00;
	v16 =	vmul.f32 $2.000000030e-01, v8  }
0x86: {  	v12 =	vld [tilespmem:s13+$0x30];
	v11 =	vsel vm1, v11, v13;
	v9 =	vmul.f32 $1.442695020e+00, v9;
	vm1 =	vgt.f32 v8, $0.0e+00  }
0x87: {  	v13 =	vmul.f32 $2.000000030e-01, v7;
	v11 =	vmul.f32 $1.442695020e+00, v11;
	v8 =	vsel vm1, v8, v16  }
0x88: {  	vm1 =	vgt.f32 v7, $0.0e+00;
	(erf) = vpow2.f32 v9;
	v9 =	vperm.xlane v14, v1  }
0x89: {  	v14 =	vnsel vm0, $0x0, v17;
	v8 =	vmul.f32 $1.442695020e+00, v8;
	(erf) = vpow2.f32 v10;
	v10 =	vpop (erf)  }
0x8a: {  	s20 =	simm.s32 $0x8240;
	v7 =	vsel vm1, v7, v13;
	(erf) = vpow2.f32 v11;
	v11 =	vnsel vm0, $0x0, v10  }
0x8b: {  	s0 =	simm.s32 $0x6200;
	v21 =	vld [tilespmem:s13+$0x20];
	[tilespmem:s20+$0x130] =	vst v14;
	v7 =	vmul.f32 $1.442695020e+00, v7;
	v9 =	vadd.f32 v9, v12;
	v19 =	vperm.xlane v10, v4  }
0x8c: {  	v12 =	vperm.xlane v10, v5;
	(erf) = vpow2.f32 v8;
	[tilespmem:s20+$0xE0] =	vst v11;
	v8 =	vld [tilespmem:s0+$0xC0]  }
0x8d: {  	v20 =	vperm.xlane v10, v2;
	v13 =	vmul.f32 $2.000000030e-01, v9;
	v14 =	vld [tilespmem:s0+$0x80];
	v11 =	vpop (erf)  }
0x8e: {  	v23 =	vld [tilespmem:s13+$0xFFFFFFF0];
	vm1 =	vgt.f32 v9, $0.0e+00;
	(erf) = vpow2.f32 v7;
	v16 =	vnsel vm0, $0x0, v11  }
0x8f: {  	v24 =	vld [tilespmem:s13+$0xFFFFFFC0];
	v7 =	vsel vm1, v9, v13;
	v9 =	vperm.xlane v11, v2;
	v26 =	vperm.xlane v11, v3  }
0x90: {  	v17 =	vperm.xlane v11, v4;
	[tilespmem:s20+$0x90] =	vst v16;
	v16 =	vld [tilespmem:s7+$0x20];
	v18 =	vmul.f32 $1.442695020e+00, v7  }
0x91: {  	v35 =	vld [tilespmem:s7+$0xFFFFFFC0];
	v7 =	vperm.xlane v11, v5;
	v8 =	vmul.f32 v8, v15  }
0x92: {  	v13 =	vld [tilespmem:s0+$0x40];
	(erf) = vpow2.f32 v18;
	v29 =	vpop (erf);
	v14 =	vmul.f32 v14, v20  }
0x93: {  	v37 =	vld [tilespmem:s7+$0xFFFFFFF0];
	v20 =	vperm.xlane v10, v3;
	[tilespmem:s20+$0xF0] =	vst v8;
	v22 =	vpop (erf);
	v40 =	vperm.xlane v29, v2  }
0x94: {  	v8 =	vld [tilespmem:s7+$0x10];
	v50 =	vperm.xlane v29, v3;
	[tilespmem:s20+$0xA0] =	vst v14;
	v14 =	vperm.xlane v22, v5  }
0x95: {  	v10 =	vld [tilespmem:s13+$0x10];
	v27 =	vpop (erf);
	v28 =	vnsel vm0, $0x0, v22;
	v57 =	vperm.xlane v22, v2;
	v15 =	vperm.xlane v16, v1  }
0x96: {  	v16 =	vld [tilespmem:s0+$0xD0];
	v18 =	vperm.xlane v27, v4;
	[tilespmem:s20+$0xFFFFFFF0] =	vst v28;
	v28 =	vperm.xlane v27, v3  }
0x97: {  	v32 =	vpop (erf);
	v31 =	vld [tilespmem:s0+$0x90];
	v13 =	vmul.f32 v13, v9;
	v9 =	vperm.xlane v29, v5  }
0x98: {  	v42 =	vld [tilespmem:s0+$0xFFFFFFC0];
	v51 =	vperm.xlane v32, v2;
	v15 =	vadd.f32 v15, v21;
	v21 =	vperm.xlane v32, v3;
	v36 =	vpop (erf)  }
0x99: {  	v38 =	vld [tilespmem:s13+$0xFFFFFFE0];
	v47 =	vnsel vm0, $0x0, v29;
	v25 =	vperm.xlane v36, v2;
	v8 =	vperm.xlane v8, v1  }
0x9a: {  	v43 =	vld [tilespmem:s7+$0xFFFFFFD0];
	v59 =	vnsel vm0, $0x0, v32;
	[tilespmem:s20+$0x50] =	vst v13;
	v13 =	vperm.xlane v36, v5;
	v33 =	vmul.f32 $2.000000030e-01, v15  }
0x9b: {  	[tilespmem:s20+$0xFFFFFF50] =	vst v47;
	vm1 =	vgt.f32 v15, $0.0e+00;
	v41 =	vld [tilespmem:s0+$0x50];
	v30 =	vmul.f32 v16, v30;
	v16 =	vperm.xlane v32, v5  }
0x9c: {  	v58 =	vld [tilespmem:s0+$0xFFFFFF40];
	[tilespmem:s20+$0xFFFFFF00] =	vst v59;
	v39 =	vadd.f32 v8, v10;
	v31 =	vmul.f32 v31, v20;
	v20 =	vperm.xlane v36, v4  }
0x9d: {  	v49 =	vld [tilespmem:s0+$0xFFFFFF00];
	v11 =	vsel vm1, v15, v33;
	v15 =	vperm.xlane v27, v5;
	v33 =	vmul.f32 v42, v57;
	[tilespmem:s20+$0x100] =	vst v30  }
0x9e: {  	v45 =	vnsel vm0, $0x0, v27;
	v11 =	vmul.f32 $1.442695020e+00, v11;
	v44 =	vmul.f32 $2.000000030e-01, v39;
	[tilespmem:s20+$0xB0] =	vst v31;
	v62 =	vld [tilespmem:s0+$0xE0]  }
0x9f: {  	[tilespmem:s20+$0xFFFFFFA0] =	vst v45;
	v42 =	vperm.xlane v22, v3;
	v27 =	vperm.xlane v27, v2;
	vm1 =	vgt.f32 v39, $0.0e+00;
	v63 =	vld [tilespmem:s0+$0xA0]  }
0xa0: {  	v10 =	vpop (erf);
	(erf) = vpow2.f32 v11;
	v11 =	vld [tilespmem:s0+$0xFFFFFF80];
	v41 =	vmul.f32 v41, v26;
	v26 =	vsel vm1, v39, v44  }
0xa1: {  	v46 =	vld [tilespmem:s13+$0x0];
	v8 =	vperm.xlane v10, v5;
	v61 =	vmul.f32 $1.442695020e+00, v26  }
0xa2: {  	v60 =	vld [tilespmem:s7+$0x0];
	v30 =	vperm.xlane v22, v4;
	v22 =	vnsel vm0, $0x0, v36;
	v31 =	vperm.xlane v36, v3  }
0xa3: {  	v48 =	vld [tilespmem:s13+$0xFFFFFFD0];
	[tilespmem:s20+$0x40] =	vst v22;
	v39 =	vmul.f32 v58, v40;
	(erf) = vpow2.f32 v61  }
0xa4: {  	v56 =	vld [tilespmem:s7+$0xFFFFFFE0];
	[tilespmem:s20+$0xFFFFFFB0] =	vst v33;
	v61 =	vmul.f32 v49, v51;
	v47 =	vmul.f32 v62, v34  }
0xa5: {  	s3 =	simm.s32 $0x84C0;
	v22 =	vnsel vm0, $0x0, v10;
	v58 =	vld [tilespmem:s0+$0xFFFFFFD0];
	[tilespmem:s20+$0xFFFFFF10] =	vst v39;
	v63 =	vmul.f32 v63, v19;
	v57 =	vmul.f32 v11, v27  }
0xa6: {  	[tilespmem:s3+$0x130] =	vst v22;
	v52 =	vld [tilespmem:s0+$0xFFFFFF50];
	v27 =	vperm.xlane v32, v4;
	v32 =	vperm.xlane v29, v4  }
0xa7: {  	s6 =	simm.s32 $0x6400;
	v33 =	vld [tilespmem:s0+$0x0];
	[tilespmem:s20+$0x60] =	vst v41;
	v29 =	vperm.xlane v60, v1;
	v60 =	vperm.xlane v37, v1  }
0xa8: {  	v19 =	vperm.xlane v43, v1;
	v43 =	vperm.xlane v35, v1;
	v35 =	vld [tilespmem:s6+$0xC0];
	[tilespmem:s20+$0xFFFFFEC0] =	vst v61  }
0xa9: {  	v26 =	vperm.xlane v10, v2;
	v62 =	vperm.xlane v56, v1;
	[tilespmem:s20+$0x110] =	vst v47;
	v41 =	vld [tilespmem:s0+$0xFFFFFF10];
	v40 =	vadd.f32 v60, v23;
	v22 =	vpop (erf)  }
0xaa: {  	v45 =	vmul.f32 v58, v42;
	[tilespmem:s20+$0xFFFFFF60] =	vst v57;
	v34 =	vadd.f32 v29, v46;
	v29 =	vld [tilespmem:s0+$0x60];
	v59 =	vnsel vm0, $0x0, v22  }
0xab: {  	v38 =	vadd.f32 v62, v38;
	v37 =	vld [tilespmem:s0+$0xFFFFFF90];
	v42 =	vmul.f32 v52, v50;
	v44 =	vmul.f32 $2.000000030e-01, v40;
	[tilespmem:s3+$0xE0] =	vst v59  }
0xac: {  	s14 =	simm.s32 $0x8;
	v39 =	vadd.f32 v19, v48;
	[tilespmem:s20+$0xC0] =	vst v63;
	v11 =	vperm.xlane v22, v4;
	v23 =	vperm.xlane v22, v5;
	v36 =	vld [tilespmem:s6+$0x80];
	v19 =	vpop (erf)  }
.LBB2_5:
0xad: {  	s14 =	sadd.s32 $0x8, s14;
	v24 =	vadd.f32 v43, v24;
	vm1 =	vgt.f32 v40, $0.0e+00;
	v43 =	vperm.xlane v19, v2;
	[tilespmem:s20+$0xFFFFFFC0] =	vst v45;
	v45 =	vld [tilespmem:s0+$0xB0]  }
0xae: {  	v25 =	vmul.f32 v33, v25;
	p0 =	slt.u32 s14, $0x78;
	v46 =	vmul.f32 $2.000000030e-01, v39;
	v40 =	vsel vm1, v40, v44;
	[tilespmem:s20+$0xFFFFFF20] =	vst v42;
	v42 =	vld [tilespmem:s0+$0xFFFFFFE0]  }
0xaf: {  	v33 =	vperm.xlane v19, v5;
	vm1 =	vgt.f32 v39, $0.0e+00;
	v44 =	vmul.f32 $2.000000030e-01, v38;
	v47 =	vld [tilespmem:s0+$0xFFFFFF60]  }
0xb0: {  	v28 =	vmul.f32 v37, v28;
	vm2 =	vgt.f32 v24, $0.0e+00;
	v40 =	vmul.f32 $1.442695020e+00, v40;
	[tilespmem:s20+$0x0] =	vst v25;
	v25 =	vld [tilespmem:s0+$0xF0]  }
0xb1: {  	v37 =	vsel vm1, v39, v46;
	vm1 =	vgt.f32 v38, $0.0e+00;
	v21 =	vmul.f32 v41, v21;
	v39 =	vld [tilespmem:s0+$0x10]  }
0xb2: {  	s13 =	sadd.s32 $0x80, s13;
	v41 =	vmul.f32 $2.000000030e-01, v24;
	v38 =	vsel vm1, v38, v44;
	v44 =	vperm.xlane v22, v2;
	[tilespmem:s20+$0xFFFFFF70] =	vst v28  }
0xb3: {  	s7 =	sadd.s32 $0x80, s7;
	vm1 =	vgt.f32 v34, $0.0e+00;
	v28 =	vmul.f32 $1.442695020e+00, v37;
	[tilespmem:s20+$0xFFFFFED0] =	vst v21;
	v21 =	vld [tilespmem:s0+$0xFFFFFFA0];
	v30 =	vmul.f32 v42, v30  }
0xb4: {  	v24 =	vsel vm2, v24, v41;
	v41 =	vnsel vm0, $0x0, v19;
	v42 =	vmul.f32 v45, v12;
	v12 =	vmovc v23;
	v37 =	vld [tilespmem:s7+$0x30]  }
0xb5: {  	v38 =	vmul.f32 $1.442695020e+00, v38;
	v45 =	vmul.f32 $2.000000030e-01, v34;
	v46 =	vld [tilespmem:s0+$0xFFFFFF20];
	[tilespmem:s20+$0xFFFFFFD0] =	vst v30  }
0xb6: {  	v36 =	vmul.f32 v36, v44;
	v30 =	vld [tilespmem:s13+$0x30];
	v31 =	vmul.f32 v39, v31;
	[tilespmem:s20+$0xD0] =	vst v42  }
0xb7: {  	v26 =	vmul.f32 v35, v26;
	v24 =	vmul.f32 $1.442695020e+00, v24;
	v34 =	vsel vm1, v34, v45;
	v23 =	vld [tilespmem:s13+$0xFFFFFFF0];
	[tilespmem:s3+$0x90] =	vst v41  }
0xb8: {  	v35 =	vld [tilespmem:s6+$0x40];
	(erf) = vpow2.f32 v28;
	v28 =	vmul.f32 v47, v32;
	[tilespmem:s20+$0x10] =	vst v31  }
0xb9: {  	v31 =	vperm.xlane v37, v1;
	[tilespmem:s3+$0xF0] =	vst v26;
	(erf) = vpow2.f32 v40;
	v26 =	vld [tilespmem:s0+$0x20]  }
0xba: {  	(erf) = vpow2.f32 v38;
	v27 =	vmul.f32 v46, v27;
	[tilespmem:s20+$0xFFFFFF30] =	vst v28;
	v28 =	vld [tilespmem:s0+$0xFFFFFFF0]  }
0xbb: {  	v18 =	vmul.f32 v21, v18;
	v37 =	vld [tilespmem:s13+$0x20];
	v30 =	vadd.f32 v31, v30;
	[tilespmem:s3+$0xA0] =	vst v36;
	(erf) = vpow2.f32 v24  }
0xbc: {  	v22 =	vperm.xlane v22, v3;
	v24 =	vmul.f32 $1.442695020e+00, v34;
	v21 =	vld [tilespmem:s7+$0x20];
	[tilespmem:s20+$0xFFFFFEE0] =	vst v27  }
0xbd: {  	v17 =	vmul.f32 v29, v17;
	v27 =	vmul.f32 $2.000000030e-01, v30;
	v31 =	vld [tilespmem:s0+$0xFFFFFF30];
	[tilespmem:s20+$0xFFFFFF80] =	vst v18  }
0xbe: {  	v29 =	vperm.xlane v10, v4;
	vm1 =	vgt.f32 v30, $0.0e+00;
	(erf) = vpow2.f32 v24;
	v18 =	vld [tilespmem:s0+$0xFFFFFFB0]  }
0xbf: {  	v35 =	vmul.f32 v35, v43;
	v20 =	vmul.f32 v26, v20;
	v24 =	vsel vm1, v30, v27;
	v30 =	vld [tilespmem:s0+$0xFFFFFF70];
	[tilespmem:s20+$0x70] =	vst v17  }
0xc0: {  	v17 =	vmul.f32 $1.442695020e+00, v24;
	v24 =	vmul.f32 v28, v14;
	v26 =	vld [tilespmem:s0+$0x70]  }
0xc1: {  	v34 =	vperm.xlane v19, v3;
	v14 =	vmul.f32 v25, v6;
	v6 =	vmov v8;
	v28 =	vld [tilespmem:s13+$0x10];
	v32 =	vpop (erf);
	[tilespmem:s20+$0x20] =	vst v20  }
0xc2: {  	v20 =	vperm.xlane v10, v3;
	(erf) = vpow2.f32 v17;
	[tilespmem:s3+$0x50] =	vst v35;
	v27 =	vpop (erf);
	v8 =	vld [tilespmem:s0+$0x30];
	s0 =	smov.u32 s6  }
0xc3: {  	v17 =	vperm.xlane v21, v1;
	v10 =	vld [tilespmem:s7+$0x10];
	v35 =	vpop (erf);
	v15 =	vmul.f32 v18, v15;
	[tilespmem:s20+$0x120] =	vst v14  }
0xc4: {  	v16 =	vmul.f32 v31, v16;
	v25 =	vnsel vm0, $0x0, v27;
	v14 =	vperm.xlane v27, v5;
	v36 =	vld [tilespmem:s6+$0xD0];
	v38 =	vpop (erf);
	[tilespmem:s20+$0xFFFFFFE0] =	vst v24  }
0xc5: {  	v31 =	vadd.f32 v17, v37;
	v37 =	vnsel vm0, $0x0, v32;
	v21 =	vperm.xlane v38, v3;
	v39 =	vld [tilespmem:s6+$0x90];
	[tilespmem:s20+$0xFFFFFF90] =	vst v15  }
0xc6: {  	v40 =	vnsel vm0, $0x0, v35;
	v18 =	vperm.xlane v35, v4;
	v15 =	vperm.xlane v32, v5;
	v24 =	vld [tilespmem:s13+$0xFFFFFFC0];
	[tilespmem:s20+$0xFFFFFEF0] =	vst v16  }
0xc7: {  	v30 =	vmul.f32 v30, v9;
	v16 =	vmul.f32 $2.000000030e-01, v31;
	v41 =	vld [tilespmem:s7+$0xFFFFFFC0];
	[tilespmem:s3+$0xFFFFFFF0] =	vst v25;
	v42 =	vpop (erf)  }
0xc8: {  	v17 =	vperm.xlane v19, v4;
	vm1 =	vgt.f32 v31, $0.0e+00;
	v9 =	vmovc v15;
	v25 =	vperm.xlane v42, v2  }
0xc9: {  	v43 =	vperm.xlane v10, v1;
	v15 =	vsel vm1, v31, v16;
	v31 =	vperm.xlane v27, v2;
	v19 =	vld [tilespmem:s7+$0xFFFFFFF0];
	[tilespmem:s20+$0xFFFFFF40] =	vst v30  }
0xca: {  	v13 =	vmul.f32 v8, v13;
	v16 =	vmul.f32 $1.442695020e+00, v15;
	v44 =	vld [tilespmem:s13+$0xFFFFFFE0]  }
0xcb: {  	v26 =	vmul.f32 v26, v7;
	v30 =	vadd.f32 v43, v28;
	v43 =	vperm.xlane v32, v2;
	v10 =	vpop (erf);
	v45 =	vld [tilespmem:s6+$0x50]  }
0xcc: {  	v7 =	vmovc v33;
	v15 =	vperm.xlane v35, v5;
	v46 =	vnsel vm0, $0x0, v10;
	v8 =	vperm.xlane v10, v5;
	v47 =	vld [tilespmem:s6+$0xFFFFFFC0];
	[tilespmem:s20+$0x30] =	vst v13  }
0xcd: {  	v49 =	vnsel vm0, $0x0, v38;
	v33 =	vmul.f32 $2.000000030e-01, v30;
	v13 =	vperm.xlane v42, v5;
	v48 =	vld [tilespmem:s7+$0xFFFFFFD0];
	[tilespmem:s20+$0x80] =	vst v26;
	s20 =	smov.u32 s3  }
0xce: {  	v28 =	vperm.xlane v35, v3;
	vm1 =	vgt.f32 v30, $0.0e+00;
	v26 =	vmul.f32 v36, v20;
	v50 =	vld [tilespmem:s13+$0x0]  }
0xcf: {  	v30 =	vsel vm1, v30, v33;
	v51 =	vld [tilespmem:s13+$0xFFFFFFD0];
	(erf) = vpow2.f32 v16;
	v16 =	vperm.xlane v38, v5;
	[tilespmem:s3+$0xFFFFFFA0] =	vst v40  }
0xd0: {  	v22 =	vmul.f32 v39, v22;
	[tilespmem:s3+$0xFFFFFF50] =	vst v37;
	v33 =	vld [tilespmem:s6+$0xFFFFFF80];
	v34 =	vmul.f32 v45, v34  }
0xd1: {  	v20 =	vperm.xlane v42, v4;
	v36 =	vld [tilespmem:s6+$0xFFFFFF40];
	v31 =	vmul.f32 v47, v31;
	[tilespmem:s3+$0x100] =	vst v26  }
0xd2: {  	v39 =	vmul.f32 $1.442695020e+00, v30;
	v30 =	vperm.xlane v27, v4;
	v37 =	vld [tilespmem:s7+$0x0];
	[tilespmem:s3+$0xFFFFFF00] =	vst v49  }
0xd3: {  	v45 =	vperm.xlane v27, v3;
	v27 =	vnsel vm0, $0x0, v42;
	v26 =	vperm.xlane v10, v2;
	[tilespmem:s3+$0xB0] =	vst v22;
	v40 =	vld [tilespmem:s6+$0xE0]  }
0xd4: {  	v49 =	vperm.xlane v32, v3;
	v22 =	vperm.xlane v35, v2;
	v47 =	vld [tilespmem:s6+$0xFFFFFF00];
	[tilespmem:s3+$0x40] =	vst v27  }
0xd5: {  	s3 =	sadd.s32 $0x280, s3;
	(erf) = vpow2.f32 v39;
	[tilespmem:s20+$0xFFFFFFB0] =	vst v31;
	v31 =	vperm.xlane v42, v3;
	v35 =	vld [tilespmem:s6+$0xA0]  }
0xd6: {  	v42 =	vmul.f32 v33, v22;
	v39 =	vld [tilespmem:s7+$0xFFFFFFE0];
	[tilespmem:s3+$0x130] =	vst v46;
	v36 =	vmul.f32 v36, v43  }
0xd7: {  	v27 =	vperm.xlane v38, v4;
	v43 =	vperm.xlane v38, v2;
	v33 =	vld [tilespmem:s6+$0x0];
	[tilespmem:s20+$0x60] =	vst v34  }
0xd8: {  	v32 =	vperm.xlane v32, v4;
	v22 =	vpop (erf);
	[tilespmem:s20+$0xFFFFFF10] =	vst v36;
	v46 =	vld [tilespmem:s6+$0xFFFFFFD0];
	v36 =	vmul.f32 v40, v29  }
0xd9: {  	v29 =	vperm.xlane v37, v1;
	v34 =	vnsel vm0, $0x0, v22;
	v52 =	vperm.xlane v22, v4;
	v53 =	vld [tilespmem:s6+$0xFFFFFF50];
	[tilespmem:s20+$0xFFFFFF60] =	vst v42  }
.Ltmp1:
0xda: {  	v19 =	vperm.xlane v19, v1;
	v38 =	vmul.f32 v47, v43;
	[tilespmem:s3+$0xE0] =	vst v34;
	v37 =	vld [tilespmem:s6+$0xFFFFFF90];
	(pc) =	sbr.rel @p0 .LBB2_5-.Ltmp1, $4  }
0xdb: {  	v34 =	vadd.f32 v29, v50;
	v47 =	vmul.f32 v35, v11;
	s6 =	sadd.s32 $0x200, s6;
	v39 =	vperm.xlane v39, v1;
	v29 =	vld [tilespmem:s0+$0x60];
	[tilespmem:s20+$0x110] =	vst v36  }
0xdc: {  	v40 =	vadd.f32 v19, v23;
	v42 =	vperm.xlane v48, v1;
	v23 =	vperm.xlane v22, v5;
	v36 =	vld [tilespmem:s6+$0x80];
	[tilespmem:s20+$0xFFFFFEC0] =	vst v38  }
0xdd: {  	v43 =	vperm.xlane v41, v1;
	v11 =	vmovc v52;
	v38 =	vadd.f32 v39, v44;
	v35 =	vld [tilespmem:s6+$0xC0];
	v45 =	vmul.f32 v46, v45  }
0xde: {  	v39 =	vadd.f32 v42, v51;
	v44 =	vmul.f32 $2.000000030e-01, v40;
	v19 =	vpop (erf);
	v41 =	vld [tilespmem:s0+$0xFFFFFF10];
	v42 =	vmul.f32 v53, v49;
	[tilespmem:s20+$0xC0] =	vst v47  }
0xdf: {  	v25 =	vmul.f32 v33, v25  }
0xe0: {  	v24 =	vadd.f32 v43, v24;
	v61 =	vmul.f32 $2.000000030e-01, v38;
	v28 =	vmul.f32 v37, v28  }
0xe1: {  	[tilespmem:s20+$0xFFFFFFC0] =	vst v45;
	vm1 =	vgt.f32 v40, $0.0e+00;
	v59 =	vld [tilespmem:s0+$0xB0];
	v47 =	vperm.xlane v22, v2;
	v53 =	vmul.f32 $2.000000030e-01, v34  }
0xe2: {  	v54 =	vnsel vm0, $0x0, v19;
	v58 =	vld [tilespmem:s0+$0xFFFFFFE0];
	v60 =	vmul.f32 $2.000000030e-01, v39;
	v40 =	vsel vm1, v40, v44;
	[tilespmem:s20+$0xFFFFFF20] =	vst v42  }
0xe3: {  	vm1 =	vgt.f32 v39, $0.0e+00;
	[tilespmem:s3+$0x90] =	vst v54;
	v17 =	vmul.f32 v29, v17;
	v40 =	vmul.f32 $1.442695020e+00, v40  }
0xe4: {  	[tilespmem:s20+$0x0] =	vst v25;
	v63 =	vmul.f32 $2.000000030e-01, v24;
	v46 =	vld [tilespmem:s0+$0xFFFFFF60];
	v36 =	vmul.f32 v36, v47;
	v25 =	vsel vm1, v39, v60  }
0xe5: {  	[tilespmem:s20+$0xFFFFFF70] =	vst v28;
	v62 =	vld [tilespmem:s0+$0x10];
	vm1 =	vgt.f32 v38, $0.0e+00;
	v26 =	vmul.f32 v35, v26;
	v21 =	vmul.f32 v41, v21  }
0xe6: {  	v50 =	vld [tilespmem:s0+$0xFFFFFFA0];
	[tilespmem:s20+$0x70] =	vst v17;
	v49 =	vsel vm1, v38, v61;
	v25 =	vmul.f32 $1.442695020e+00, v25;
	vm1 =	vgt.f32 v24, $0.0e+00  }
0xe7: {  	[tilespmem:s3+$0xA0] =	vst v36;
	v12 =	vmul.f32 v59, v12;
	v24 =	vsel vm1, v24, v63;
	v48 =	vmul.f32 v58, v30  }
0xe8: {  	v44 =	vld [tilespmem:s0+$0x70];
	vm1 =	vgt.f32 v34, $0.0e+00;
	[tilespmem:s3+$0xF0] =	vst v26;
	v30 =	vmul.f32 $1.442695020e+00, v49;
	v24 =	vmul.f32 $1.442695020e+00, v24  }
0xe9: {  	v57 =	vld [tilespmem:s6+$0x40];
	[tilespmem:s20+$0xFFFFFED0] =	vst v21;
	(erf) = vpow2.f32 v25;
	v59 =	vsel vm1, v34, v53;
	v55 =	vmul.f32 v46, v32  }
0xea: {  	v58 =	vld [tilespmem:s0+$0xF0];
	[tilespmem:s20+$0xD0] =	vst v12;
	(erf) = vpow2.f32 v40;
	v61 =	vmul.f32 $1.442695020e+00, v59  }
0xeb: {  	v51 =	vld [tilespmem:s0+$0xFFFFFF20];
	[tilespmem:s20+$0xFFFFFFD0] =	vst v48;
	v52 =	vmul.f32 v62, v31;
	v18 =	vmul.f32 v50, v18  }
0xec: {  	(erf) = vpow2.f32 v30;
	v62 =	vperm.xlane v19, v2;
	v50 =	vld [tilespmem:s6+$0xD0];
	[tilespmem:s20+$0xFFFFFF30] =	vst v55  }
0xed: {  	(erf) = vpow2.f32 v24;
	v7 =	vmul.f32 v44, v7;
	[tilespmem:s20+$0x10] =	vst v52  }
0xee: {  	[tilespmem:s20+$0xFFFFFF80] =	vst v18;
	(erf) = vpow2.f32 v61;
	v18 =	vmul.f32 v57, v62;
	v56 =	vld [tilespmem:s0+$0x20]  }
0xef: {  	v28 =	vmul.f32 v58, v6;
	v58 =	vperm.xlane v10, v3;
	[tilespmem:s20+$0x80] =	vst v7  }
0xf0: {  	v27 =	vmul.f32 v51, v27;
	[tilespmem:s3+$0x50] =	vst v18  }
0xf1: {  	v60 =	vld [tilespmem:s0+$0xFFFFFFF0];
	[tilespmem:s20+$0x120] =	vst v28;
	v62 =	vmul.f32 v50, v58  }
0xf2: {  	[tilespmem:s20+$0xFFFFFEE0] =	vst v27;
	v6 =	vpop (erf)  }
0xf3: {  	[tilespmem:s3+$0x100] =	vst v62;
	v20 =	vmul.f32 v56, v20;
	v36 =	vnsel vm0, $0x0, v6  }
0xf4: {  	v31 =	vld [tilespmem:s0+$0xFFFFFF70];
	v17 =	vpop (erf);
	[tilespmem:s3+$0xFFFFFF50] =	vst v36  }
0xf5: {  	v63 =	vld [tilespmem:s0+$0xFFFFFFB0];
	v18 =	vpop (erf);
	v32 =	vnsel vm0, $0x0, v17;
	[tilespmem:s20+$0x20] =	vst v20  }
0xf6: {  	v12 =	vmul.f32 v60, v14;
	v34 =	vnsel vm0, $0x0, v18;
	[tilespmem:s3+$0xFFFFFFF0] =	vst v32;
	v41 =	vld [tilespmem:s6+$0xFFFFFF40]  }
0xf7: {  	v21 =	vpop (erf);
	v20 =	vld [tilespmem:s6+$0xFFFFFFC0];
	[tilespmem:s3+$0xFFFFFFA0] =	vst v34  }
0xf8: {  	[tilespmem:s20+$0xFFFFFFE0] =	vst v12;
	v35 =	vnsel vm0, $0x0, v21;
	v26 =	vpop (erf);
	v37 =	vld [tilespmem:s6+$0xFFFFFF80]  }
0xf9: {  	v9 =	vmul.f32 v31, v9;
	v48 =	vperm.xlane v6, v2;
	v33 =	vld [tilespmem:s0+$0x30];
	[tilespmem:s3+$0xFFFFFF00] =	vst v35;
	v38 =	vnsel vm0, $0x0, v26  }
0xfa: {  	v29 =	vmul.f32 v63, v15;
	v40 =	vperm.xlane v17, v2;
	v39 =	vld [tilespmem:s6+$0xFFFFFF00];
	[tilespmem:s3+$0x40] =	vst v38  }
0xfb: {  	[tilespmem:s20+$0xFFFFFF40] =	vst v9;
	v42 =	vperm.xlane v18, v2;
	v43 =	vld [tilespmem:s6+$0x0];
	v53 =	vmul.f32 v41, v48  }
0xfc: {  	v30 =	vld [tilespmem:s0+$0xFFFFFF30];
	[tilespmem:s20+$0xFFFFFF90] =	vst v29;
	v45 =	vmul.f32 v20, v40  }
0xfd: {  	v47 =	vld [tilespmem:s6+$0x90];
	v46 =	vperm.xlane v21, v2;
	v49 =	vmul.f32 v37, v42;
	[tilespmem:s3+$0xFFFFFF10] =	vst v53  }
0xfe: {  	v51 =	vperm.xlane v26, v2;
	v13 =	vmul.f32 v33, v13;
	[tilespmem:s3+$0xFFFFFFB0] =	vst v45;
	v61 =	vld [tilespmem:s6+$0xFFFFFF50]  }
0xff: {  	v52 =	vmul.f32 v39, v46;
	v54 =	vld [tilespmem:s6+$0xFFFFFFD0];
	[tilespmem:s3+$0xFFFFFF60] =	vst v49  }
0x100: {  	v55 =	vperm.xlane v22, v3;
	[tilespmem:s20+$0x30] =	vst v13;
	v57 =	vmul.f32 v43, v51;
	v56 =	vld [tilespmem:s6+$0xFFFFFF90]  }
0x101: {  	v31 =	vperm.xlane v6, v3;
	v29 =	vld [tilespmem:s6+$0x50];
	v15 =	vmul.f32 v30, v16;
	[tilespmem:s3+$0xFFFFFEC0] =	vst v52  }
0x102: {  	v60 =	vperm.xlane v17, v3;
	v13 =	vmul.f32 v47, v55;
	v59 =	vld [tilespmem:s6+$0xFFFFFF10];
	[tilespmem:s3+$0x0] =	vst v57  }
0x103: {  	v7 =	vperm.xlane v18, v3;
	[tilespmem:s20+$0xFFFFFEF0] =	vst v15;
	v63 =	vld [tilespmem:s6+$0x10];
	v9 =	vmul.f32 v61, v31  }
0x104: {  	v35 =	vperm.xlane v19, v3;
	v33 =	vld [tilespmem:s6+$0xE0];
	[tilespmem:s3+$0xB0] =	vst v13;
	v30 =	vmul.f32 v54, v60  }
0x105: {  	v28 =	vperm.xlane v21, v3;
	v32 =	vld [tilespmem:s6+$0xA0];
	v7 =	vmul.f32 v56, v7;
	[tilespmem:s3+$0xFFFFFF20] =	vst v9  }
0x106: {  	v34 =	vperm.xlane v26, v3;
	v13 =	vmul.f32 v29, v35;
	[tilespmem:s3+$0xFFFFFFC0] =	vst v30;
	v41 =	vld [tilespmem:s6+$0xFFFFFF60]  }
0x107: {  	v38 =	vperm.xlane v10, v4;
	v12 =	vmul.f32 v59, v28;
	v36 =	vld [tilespmem:s6+$0xFFFFFFE0];
	[tilespmem:s3+$0xFFFFFF70] =	vst v7  }
0x108: {  	[tilespmem:s3+$0x60] =	vst v13;
	v37 =	vmul.f32 v63, v34;
	v7 =	vld [tilespmem:s6+$0xFFFFFFA0]  }
0x109: {  	v47 =	vperm.xlane v6, v4;
	v10 =	vmul.f32 v33, v38;
	v45 =	vld [tilespmem:s6+$0x60];
	[tilespmem:s3+$0xFFFFFED0] =	vst v12  }
0x10a: {  	v40 =	vperm.xlane v17, v4;
	v11 =	vmul.f32 v32, v11;
	v39 =	vld [tilespmem:s6+$0xFFFFFF20];
	[tilespmem:s3+$0x10] =	vst v37  }
0x10b: {  	v42 =	vperm.xlane v18, v4;
	[tilespmem:s3+$0x110] =	vst v10;
	v43 =	vld [tilespmem:s6+$0x20];
	v14 =	vmul.f32 v41, v47  }
0x10c: {  	v51 =	vperm.xlane v19, v4;
	v50 =	vld [tilespmem:s6+$0xF0];
	[tilespmem:s3+$0xC0] =	vst v11;
	v46 =	vmul.f32 v36, v40  }
0x10d: {  	v44 =	vperm.xlane v21, v4;
	v48 =	vld [tilespmem:s6+$0xB0];
	v7 =	vmul.f32 v7, v42;
	[tilespmem:s3+$0xFFFFFF30] =	vst v14  }
0x10e: {  	v49 =	vperm.xlane v26, v4;
	v11 =	vmul.f32 v45, v51;
	[tilespmem:s3+$0xFFFFFFD0] =	vst v46;
	v14 =	vld [tilespmem:s6+$0xFFFFFF70]  }
0x10f: {  	v9 =	vmul.f32 v39, v44;
	v52 =	vld [tilespmem:s6+$0xFFFFFFF0];
	[tilespmem:s3+$0xFFFFFF80] =	vst v7  }
0x110: {  	[tilespmem:s3+$0x70] =	vst v11;
	v53 =	vmul.f32 v43, v49;
	v7 =	vld [tilespmem:s6+$0xFFFFFFB0]  }
0x111: {  	v6 =	vperm.xlane v6, v5;
	v8 =	vmul.f32 v50, v8;
	v60 =	vld [tilespmem:s6+$0x70];
	[tilespmem:s3+$0xFFFFFEE0] =	vst v9  }
0x112: {  	v55 =	vperm.xlane v17, v5;
	v10 =	vmul.f32 v48, v23;
	v54 =	vld [tilespmem:s6+$0xFFFFFF30];
	[tilespmem:s3+$0x20] =	vst v53  }
0x113: {  	v56 =	vperm.xlane v18, v5;
	[tilespmem:s3+$0x120] =	vst v8;
	v57 =	vld [tilespmem:s6+$0x30];
	v6 =	vmul.f32 v14, v6  }
0x114: {  	v63 =	vperm.xlane v19, v5;
	[tilespmem:s3+$0xD0] =	vst v10;
	v59 =	vmul.f32 v52, v55  }
0x115: {  	v58 =	vperm.xlane v21, v5;
	v7 =	vmul.f32 v7, v56;
	[tilespmem:s3+$0xFFFFFF40] =	vst v6  }
0x116: {  	v61 =	vperm.xlane v26, v5;
	v6 =	vmul.f32 v60, v63;
	[tilespmem:s3+$0xFFFFFFE0] =	vst v59  }
0x117: {  	v62 =	vmul.f32 v54, v58;
	[tilespmem:s3+$0xFFFFFF90] =	vst v7  }
0x118: {  	s31 =	sadd.s32 $0x1, s31;
	v7 =	vmul.f32 v57, v61;
	[tilespmem:s3+$0x80] =	vst v6  }
0x119: {  	p0 =	sne.s32 s31, $0x51;
	[tilespmem:s3+$0xFFFFFEF0] =	vst v62  }
.Ltmp2:
0x11a: {  	[tilespmem:s3+$0x30] =	vst v7;
	(pc) =	sbr.rel @p0 .LBB2_4-.Ltmp2, $4  }
0x11b: {  	[spmem:s2] =	stream.indirect.scatter.add.f32 [tilespmem:s21], [sflag:$0x4], $0x50, s1, s22, $0xb8;
	[tilespmem:$0x17100] =	vst v63  }
0x11c: {  	_ =	swait.ge [sflag:s19], $0x2800  }
0x11d: {  	[sflag:s19] =	ssyncset.done $0x0  }
0x11e: {  	[sflag:s19] =	ssyncadd.s32 $0xFFFFD800  }
0x11f: {  	s0 =	stileid.u32  }
0x120: {  	[bflag:$0x0] =	sbarrier.arrive $0xFFFF;
	s0 =	sshll.u32 s0, $0x6  }
0x121: {  	s1 =	sshrl.u32 s8, $0x3;
	s3 =	rddreg [dreg:$0x5];
	s0 =	sor.u32 $0x1C04, s0  }
0x122: {  	[hbm:s3], [sflag:s0] =	dma.local [spmem:s1], $0x500  }
0x123: {  	_ =	swait.ge [sflag:s19], $0x500  }
0x124: {  	[sflag:s19] =	ssyncset.done $0x0  }
0x125: {  	s7 =	sshrl.u32 s9, $0x3;
	s13 =	rddreg [dreg:$0x6];
	[sflag:s19] =	ssyncadd.s32 $0xFFFFFB00  }
0x126: {  	[hbm:s13], [sflag:s0] =	dma.local [spmem:s7], $0x500  }
0x127: {  	_ =	swait.ge [sflag:s19], $0x500  }
0x128: {  	[sflag:s19] =	ssyncset.done $0x0  }
0x129: {  	s14 =	sshrl.u32 s10, $0x3;
	[sflag:s19] =	ssyncadd.s32 $0xFFFFFB00  }
0x12a: {  	[hbm:s15], [sflag:s0] =	dma.local [spmem:s14], $0x500  }
0x12b: {  	_ =	swait.ge [sflag:s19], $0x500  }
0x12c: {  	[sflag:s19] =	ssyncset.done $0x0  }
0x12d: {  	s20 =	sshrl.u32 s11, $0x3;
	[sflag:s19] =	ssyncadd.s32 $0xFFFFFB00  }
0x12e: {  	[hbm:s16], [sflag:s0] =	dma.local [spmem:s20], $0x500  }
0x12f: {  	s30 =	sadd.s32 $0x1, s30;
	_ =	swait.ge [sflag:s19], $0x500  }
0x130: {  	p0 =	sne.s32 s30, s18;
	[sflag:s19] =	ssyncset.done $0x0  }
.Ltmp3:
0x131: {  	s31 =	sshrl.u32 s12, $0x3;
	[sflag:s19] =	ssyncadd.s32 $0xFFFFFB00;
	(pc) =	sbr.rel @p0 .LBB2_1-.Ltmp3, $4  }
0x132: {  	[hbm:s17], [sflag:s0] =	dma.local [spmem:s31], $0x500  }
0x133: {  	_ =	swait.ge [sflag:s19], $0x500  }
0x134: {  	[sflag:s19] =	ssyncset.done $0x0  }
0x135: {  	[sflag:s19] =	ssyncadd.s32 $0xFFFFFB00  }
0x136: {  	_ =	sfence.sel $0x180000  }
0x137: {  	[bflag:$0x0] =	sbarrier.arrive $0xFFFF  }
0x138: {  	_ =	strace $0x90000047  }
0x139: {  	s0 =	stileid.u32;
	[bflag:$0x2] =	sbarrier.arrive $0xFFFF  }
0x13a: {  	p0 =	sne.s32 s0, $0x0;
	s0 =	rddreg [dreg:$0x2]  }
0x13b: {  	s0 =	sadd.s32 @!p0 $0x100000, s0  }
0x13c: {  	[sflag:s0] =	ssyncadd.tile.s32 @!p0 $0x1;
	_ =	shalt  }
.Lfunc_end2:
_tile_overlayer_lowered:
.L_overlay_start_2:
0x13d: {  	(tag) =	ssettag $0x2  }
0x13e: {  	s0 =	rddreg [dreg:$0x0];
	s2 =	stileid.u32  }
0x13f: {  	s1 =	rddreg [dreg:$0x1];
	p0 =	sne.s32 s2, $0x0  }
0x140: {  	s3 =	rddreg [dreg:$0x2];
	[bflag:$0x3] =	sbarrier.arrive $0xFFFF;
	s2 =	simm.s32 @!p0 $0x1C04  }
0x141: {  	[timem:s3], [sflag:s2] =	dma.local @!p0 [hbm:s0], s1  }
0x142: {  	s0 =	simm.s32 @!p0 $0x4  }
0x143: {  	_ =	swait.ge @!p0 [sflag:s0], s1  }
0x144: {  	s1 =	ssub.s32 @!p0 $0x0, s1;
	[sflag:s0] =	ssyncset.done @!p0 $0x0  }
0x145: {  	[sflag:s0] =	ssyncadd.s32 @!p0 s1  }
0x146: {  	[bflag:$0x3] =	sbarrier.arrive $0xFFFF  }
0x147: {  	_ =	shalt  }

</sc_bundles>
